<compile_context>
chip_gen: v7x
topology: tpu7x:2x2x1
jax: 0.10.2.dev20260603
libtpu: 0.0.44.dev20260713+nightly
codegen_flags: <defaults>
</compile_context>

<pallas_src>
import jax
import jax.numpy as jnp
from jax import lax
from jax.experimental import pallas as pl
from jax.experimental.pallas import tpu as pltpu
from jax.experimental.pallas import tpu_sc as plsc

N_SRC0, N_DST1, N_DST2 = 10000, 4000, 1000
E1, E2, E_TOT = 320000, 64000, 400000
F_IN, F_HID, F_OUT = 128, 16, 64

NC, NS = 2, 16
NW = NC * NS
L = 16

OFF_DS1 = 0
OFF_DD1 = 10112
OFF_DS2 = 14208
OFF_DD2 = 18304
DEG_ROWS = 256
DEG_TOT = DEG_ROWS * 128

ND1P = 4096
ND2P = 1024

SUB = 128
E1T = 10240
E2T = 2048
E1P = E1T * NW
E2P = E2T * NW
EW_PAD = E_TOT + 8
ZERO_ID = E_TOT
ONE_ID = E_TOT + 1

_mesh = plsc.VectorSubcoreMesh(core_axis_name="c", subcore_axis_name="s")
_sc_params = pltpu.CompilerParams(needs_layout_passes=False,
                                  use_tc_tiling_on_sc=False)


def _wid():
    return lax.axis_index("s") * NC + lax.axis_index("c")


def _add_rows(src_v, dst_sh, iidx, n_rows):
    iota = lax.iota(jnp.int32, L)
    for k in range(n_rows // 128):
        for j in range(128 // L):
            iidx[0, pl.ds(j * L, L)] = iota + (k * 128 + j * L)
        pltpu.sync_copy(src_v.at[pl.ds(k * 128, 128), :],
                        dst_sh.at[iidx.at[0]], add=True)


def _deg_body(r1, c1, i1, r2, c2, i2, ew, zerd,
              w1o, w2o, degp,
              deg_v, rbuf, cbuf, ibuf, wful, iidx, ew_sh, deg_sh,
              sem0, sem1, sem2, sem3):
    wid = _wid()
    sid = lax.axis_index("s")
    cid = lax.axis_index("c")
    sems = (sem0, sem1, sem2, sem3)
    pltpu.sync_copy(zerd, deg_v)

    @pl.when(sid == 0)
    def _():
        pltpu.sync_copy(ew, ew_sh)
        pltpu.sync_copy(zerd, deg_sh)

    plsc.subcore_barrier()

    def run(row, col, eid, wout, n_tile, off_r, off_c):
        base = wid * n_tile
        nsub = n_tile // SUB
        pltpu.sync_copy(row.at[pl.ds(base, n_tile)], rbuf.at[pl.ds(0, n_tile)])
        pltpu.sync_copy(col.at[pl.ds(base, n_tile)], cbuf.at[pl.ds(0, n_tile)])
        pltpu.sync_copy(eid.at[pl.ds(base, n_tile)], ibuf.at[pl.ds(0, n_tile)])

        def fire(s, sem):
            pltpu.async_copy(ew_sh.at[ibuf.at[pl.ds(s * SUB, SUB)]],
                             wful.at[pl.ds(s * SUB, SUB)], sem)

        def drain(s, sem):
            pltpu.make_async_copy(ew.at[pl.ds(0, SUB)],
                                  wful.at[pl.ds(s * SUB, SUB)], sem).wait()

        def compute(s):
            @plsc.parallel_loop(0, SUB // L, 1)
            def grp(g):
                gb = s * SUB + g * L
                r16 = rbuf[pl.ds(gb, L)]
                c16 = cbuf[pl.ds(gb, L)]
                if off_r:
                    r16 = r16 + off_r
                c16 = c16 + off_c
                w16 = wful[pl.ds(gb, L)]
                plsc.addupdate_scatter(
                    deg_v, [r16 >> 7, r16 & 127], w16)
                plsc.addupdate_scatter(
                    deg_v, [c16 >> 7, c16 & 127], w16)

        for b in range(3):
            fire(b, sems[b])

        def outer(k, carry):
            s = k * 4
            for b in range(4):
                sb = s + b

                @pl.when(sb + 3 < nsub)
                def _():
                    fire(sb + 3, sems[(b + 3) % 4])

                drain(sb, sems[b])
                compute(sb)
            return carry

        lax.fori_loop(0, nsub // 4, outer, 0)
        pltpu.sync_copy(wful.at[pl.ds(0, n_tile)], wout.at[pl.ds(base, n_tile)])

    run(r1, c1, i1, w1o, E1T, OFF_DS1, OFF_DD1)
    run(r2, c2, i2, w2o, E2T, OFF_DS2, OFF_DD2)
    _add_rows(deg_v, deg_sh, iidx, DEG_ROWS)
    plsc.subcore_barrier()

    @pl.when(sid == 0)
    def _():
        pltpu.sync_copy(deg_sh, degp.at[cid])


@jax.jit
def _deg_call(r1, c1, i1, r2, c2, i2, ew, zerd):
    return pl.kernel(
        _deg_body,
        out_type=[
            jax.ShapeDtypeStruct((E1P,), jnp.float32),
            jax.ShapeDtypeStruct((E2P,), jnp.float32),
            jax.ShapeDtypeStruct((NC, DEG_ROWS, 128), jnp.float32),
        ],
        mesh=_mesh,
        compiler_params=_sc_params,
        scratch_types=[
            pltpu.VMEM((DEG_ROWS, 128), jnp.float32),
            pltpu.VMEM((E1T,), jnp.int32),
            pltpu.VMEM((E1T,), jnp.int32),
            pltpu.VMEM((E1T,), jnp.int32),
            pltpu.VMEM((E1T,), jnp.float32),
            pltpu.VMEM((1, 128), jnp.int32),
            pltpu.VMEM_SHARED((EW_PAD,), jnp.float32),
            pltpu.VMEM_SHARED((DEG_ROWS, 128), jnp.float32),
            pltpu.SemaphoreType.DMA,
            pltpu.SemaphoreType.DMA,
            pltpu.SemaphoreType.DMA,
            pltpu.SemaphoreType.DMA,
        ],
    )(r1, c1, i1, r2, c2, i2, ew, zerd)


def _edge_group(r16, c16, w16, ds_v, dd_v, agg2d, xsrc2d, rowat):
    a = plsc.load_gather(ds_v, [r16])
    b = plsc.load_gather(dd_v, [c16])
    norm = a * w16 * b
    for e in range(L):
        n_s = norm[e]
        c_s = c16[e]
        xrow = xsrc2d[rowat(e, r16), :]
        plsc.addupdate(agg2d.at[c_s], xrow * n_s)


def _zero2d(zsmall, dst, n_rows):
    for k in range(n_rows // 128):
        pltpu.sync_copy(zsmall, dst.at[pl.ds(k * 128, 128), :])


def _agg1_body(rc, w, dinv, xlin, zsmall,
               aggp,
               agg_v, ds_v, dd_v, rcbuf, rbuf, wbuf,
               rows0, rows1, iidx, xlin_sh, agg_sh,
               sem0, sem1):
    wid = _wid()
    sid = lax.axis_index("s")
    cid = lax.axis_index("c")

    @pl.when(sid == 0)
    def _():
        pltpu.sync_copy(xlin, xlin_sh)
        _zero2d(zsmall, agg_sh, ND1P)

    _zero2d(zsmall, agg_v, ND1P)
    pltpu.sync_copy(dinv.at[pl.ds(OFF_DS1, N_SRC0)], ds_v)
    pltpu.sync_copy(dinv.at[pl.ds(OFF_DD1, N_DST1)], dd_v)
    base = wid * E1T
    pltpu.sync_copy(rc.at[pl.ds(base, E1T)], rcbuf)
    pltpu.sync_copy(w.at[pl.ds(base, E1T)], wbuf)

    @plsc.parallel_loop(0, E1T // L, 1)
    def unpack(u):
        rbuf[pl.ds(u * L, L)] = rcbuf[pl.ds(u * L, L)] >> 14
    nsub = E1T // SUB
    bufs = (rows0, rows1)
    sems = (sem0, sem1)
    plsc.subcore_barrier()

    def fire(s, b):
        pltpu.async_copy(xlin_sh.at[rbuf.at[pl.ds(s * SUB, SUB)]],
                         bufs[b], sems[b])

    def drain(b):
        pltpu.make_async_copy(xlin.at[pl.ds(0, SUB)], bufs[b], sems[b]).wait()

    def compute(s, b):
        rows_v = bufs[b]

        @plsc.parallel_loop(0, SUB // L, 1)
        def grp(g):
            gb = s * SUB + g * L
            rc16 = rcbuf[pl.ds(gb, L)]
            _edge_group(rc16 >> 14, rc16 & 16383, wbuf[pl.ds(gb, L)],
                        ds_v, dd_v, agg_v, rows_v,
                        lambda e, r16: g * L + e)

    fire(0, 0)

    def outer(k, carry):
        s = k * 2
        fire(s + 1, 1)
        drain(0)
        compute(s, 0)

        @pl.when(s + 2 < nsub)
        def _():
            fire(s + 2, 0)

        drain(1)
        compute(s + 1, 1)
        return carry

    lax.fori_loop(0, nsub // 2, outer, 0)
    _add_rows(agg_v, agg_sh, iidx, ND1P)
    plsc.subcore_barrier()

    @pl.when(sid == 0)
    def _():
        pltpu.sync_copy(agg_sh, aggp.at[cid])


@jax.jit
def _agg1_call(rc, w, dinv, xlin, zsmall):
    return pl.kernel(
        _agg1_body,
        out_type=jax.ShapeDtypeStruct((NC, ND1P, F_HID), jnp.float32),
        mesh=_mesh,
        compiler_params=_sc_params,
        scratch_types=[
            pltpu.VMEM((ND1P, F_HID), jnp.float32),
            pltpu.VMEM((N_SRC0,), jnp.float32),
            pltpu.VMEM((N_DST1,), jnp.float32),
            pltpu.VMEM((E1T,), jnp.int32),
            pltpu.VMEM((E1T,), jnp.int32),
            pltpu.VMEM((E1T,), jnp.float32),
            pltpu.VMEM((SUB, F_HID), jnp.float32),
            pltpu.VMEM((SUB, F_HID), jnp.float32),
            pltpu.VMEM((1, 128), jnp.int32),
            pltpu.VMEM_SHARED((N_SRC0, F_HID), jnp.float32),
            pltpu.VMEM_SHARED((ND1P, F_HID), jnp.float32),
            pltpu.SemaphoreType.DMA,
            pltpu.SemaphoreType.DMA,
        ],
    )(rc, w, dinv, xlin, zsmall)


def _agg2_body(row, col, w, dinv, aggp1, b1, zsmall,
               aggp,
               agg_v, ds_v, dd_v, b1_v, t0, t1, rbuf, cbuf, wbuf, h_v,
               iidx, h_sh, agg_sh):
    wid = _wid()
    sid = lax.axis_index("s")
    cid = lax.axis_index("c")

    @pl.when(sid == 0)
    def _():
        _zero2d(zsmall, agg_sh, ND2P)

    r0 = sid * (ND1P // NS)
    pltpu.sync_copy(aggp1.at[0].at[pl.ds(r0, ND1P // NS), :], t0)
    pltpu.sync_copy(aggp1.at[1].at[pl.ds(r0, ND1P // NS), :], t1)
    pltpu.sync_copy(b1, b1_v)
    b1vec = b1_v[...]

    @plsc.parallel_loop(0, ND1P // NS, 1)
    def hrow(r):
        t0[r, :] = jnp.maximum(t0[r, :] + t1[r, :] + b1vec, 0.0)

    pltpu.sync_copy(t0, h_sh.at[pl.ds(r0, ND1P // NS), :])

    _zero2d(zsmall, agg_v, ND2P)
    pltpu.sync_copy(dinv.at[pl.ds(OFF_DS2, N_DST1)], ds_v)
    pltpu.sync_copy(dinv.at[pl.ds(OFF_DD2, N_DST2)], dd_v)
    base = wid * E2T
    pltpu.sync_copy(row.at[pl.ds(base, E2T)], rbuf)
    pltpu.sync_copy(col.at[pl.ds(base, E2T)], cbuf)
    pltpu.sync_copy(w.at[pl.ds(base, E2T)], wbuf)
    plsc.subcore_barrier()

    pltpu.sync_copy(h_sh, h_v)

    @plsc.parallel_loop(0, E2T // L, 1)
    def grp(g):
        gb = g * L
        _edge_group(rbuf[pl.ds(gb, L)], cbuf[pl.ds(gb, L)],
                    wbuf[pl.ds(gb, L)], ds_v, dd_v, agg_v, h_v,
                    lambda e, r16: r16[e])

    _add_rows(agg_v, agg_sh, iidx, ND2P)
    plsc.subcore_barrier()

    @pl.when(sid == 0)
    def _():
        pltpu.sync_copy(agg_sh, aggp.at[cid])


@jax.jit
def _agg2_call(row, col, w, dinv, aggp1, b1, zsmall):
    return pl.kernel(
        _agg2_body,
        out_type=jax.ShapeDtypeStruct((NC, ND2P, F_HID), jnp.float32),
        mesh=_mesh,
        compiler_params=_sc_params,
        scratch_types=[
            pltpu.VMEM((ND2P, F_HID), jnp.float32),
            pltpu.VMEM((N_DST1,), jnp.float32),
            pltpu.VMEM((N_DST2,), jnp.float32),
            pltpu.VMEM((F_HID,), jnp.float32),
            pltpu.VMEM((ND1P // NS, F_HID), jnp.float32),
            pltpu.VMEM((ND1P // NS, F_HID), jnp.float32),
            pltpu.VMEM((E2T,), jnp.int32),
            pltpu.VMEM((E2T,), jnp.int32),
            pltpu.VMEM((E2T,), jnp.float32),
            pltpu.VMEM((ND1P, F_HID), jnp.float32),
            pltpu.VMEM((1, 128), jnp.int32),
            pltpu.VMEM_SHARED((ND1P, F_HID), jnp.float32),
            pltpu.VMEM_SHARED((ND2P, F_HID), jnp.float32),
        ],
    )(row, col, w, dinv, aggp1, b1, zsmall)


def _tc_prep_body(x_ref, w1_ref, degp_ref, xlin_ref, dinv_ref):
    xlin_ref[...] = jnp.dot(x_ref[...], w1_ref[...],
                            preferred_element_type=jnp.float32)
    deg = degp_ref[0] + degp_ref[1]
    dinv_ref[...] = jnp.where(deg > 0.0, lax.rsqrt(deg), 0.0)


@jax.jit
def _tc_prep(x, W1, degp):
    return pl.pallas_call(
        _tc_prep_body,
        out_shape=[
            jax.ShapeDtypeStruct((N_SRC0, F_HID), jnp.float32),
            jax.ShapeDtypeStruct((DEG_ROWS, 128), jnp.float32),
        ],
    )(x, W1, degp)


def _tc_final_body(aggp_ref, w2_ref, b2_ref, out_ref):
    agg = (aggp_ref[0] + aggp_ref[1])[:N_DST2]
    o = jnp.dot(agg, w2_ref[...], preferred_element_type=jnp.float32)
    o = o + b2_ref[...]
    z = o - jnp.max(o, axis=1, keepdims=True)
    out_ref[...] = z - jnp.log(jnp.sum(jnp.exp(z), axis=1, keepdims=True))


@jax.jit
def _tc_final(aggp, W2, b2):
    return pl.pallas_call(
        _tc_final_body,
        out_shape=jax.ShapeDtypeStruct((N_DST2, F_OUT), jnp.float32),
    )(aggp, W2, b2)


def kernel(x, edge_index1, e_id1, edge_index2, e_id2, edge_weight,
           W1, b1, W2, b2):
    i32 = jnp.int32
    loops1 = jnp.arange(N_DST1, dtype=i32)
    loops2 = jnp.arange(N_DST2, dtype=i32)
    pad1 = E1P - E1 - N_DST1
    pad2 = E2P - E2 - N_DST2
    z1 = jnp.zeros((pad1,), i32)
    z2 = jnp.zeros((pad2,), i32)
    r1 = jnp.concatenate([edge_index1[0], loops1, z1])
    c1 = jnp.concatenate([edge_index1[1], loops1, z1])
    i1 = jnp.concatenate([e_id1, jnp.full((N_DST1,), ONE_ID, i32),
                          jnp.full((pad1,), ZERO_ID, i32)])
    r2 = jnp.concatenate([edge_index2[0], loops2, z2])
    c2 = jnp.concatenate([edge_index2[1], loops2, z2])
    i2 = jnp.concatenate([e_id2, jnp.full((N_DST2,), ONE_ID, i32),
                          jnp.full((pad2,), ZERO_ID, i32)])
    ew = jnp.concatenate([
        edge_weight,
        jnp.array([0.0, 1.0], jnp.float32),
        jnp.zeros((EW_PAD - E_TOT - 2,), jnp.float32),
    ])
    zerd = jnp.zeros((DEG_ROWS, 128), jnp.float32)
    zsmall = jnp.zeros((128, F_HID), jnp.float32)

    w1, w2, degp = _deg_call(r1, c1, i1, r2, c2, i2, ew, zerd)
    xlin, dinv2d = _tc_prep(x, W1, degp)
    dinv = dinv2d.reshape(DEG_TOT)
    rc1 = r1 * 16384 + c1
    aggp1 = _agg1_call(rc1, w1, dinv, xlin, zsmall)
    aggp2 = _agg2_call(r2, c2, w2, dinv, aggp1, b1, zsmall)
    return _tc_final(aggp2, W2, b2.reshape(1, F_OUT))

# --- scband reference (transcript-rebuilt; emitter-appended) ---
"""Pipeline reference for scband-gcnnet-61950608278028 (READ-ONLY COPY).

The authoritative reference and input builder live on the scoring server;
editing this copy changes nothing except your own understanding.
"""

import jax, jax.numpy as jnp
import numpy as np

N_SRC0, N_DST1, N_DST2 = 10000, 4000, 1000
E1, E2, E_TOTAL = 320000, 64000, 400000
F_IN, F_HID, F_OUT = 128, 16, 64


def setup_inputs(seed: int = 0) -> dict:
    key = jax.random.key(seed)
    ks = jax.random.split(key, 12)
    x = jax.random.normal(ks[0], (N_SRC0, F_IN), dtype=jnp.float32)
    ei1_row = jax.random.randint(ks[1], (E1,), 0, N_SRC0, dtype=jnp.int32)
    ei1_col = jax.random.randint(ks[2], (E1,), 0, N_DST1, dtype=jnp.int32)
    edge_index1 = jnp.stack([ei1_row, ei1_col], axis=0)
    e_id1 = jax.random.randint(ks[3], (E1,), 0, E_TOTAL, dtype=jnp.int32)
    ei2_row = jax.random.randint(ks[4], (E2,), 0, N_DST1, dtype=jnp.int32)
    ei2_col = jax.random.randint(ks[5], (E2,), 0, N_DST2, dtype=jnp.int32)
    edge_index2 = jnp.stack([ei2_row, ei2_col], axis=0)
    e_id2 = jax.random.randint(ks[6], (E2,), 0, E_TOTAL, dtype=jnp.int32)
    edge_weight = jax.random.uniform(ks[7], (E_TOTAL,), dtype=jnp.float32)
    W1 = jax.random.normal(ks[8], (F_IN, F_HID), dtype=jnp.float32) * (1.0 / np.sqrt(F_IN))
    b1 = jnp.zeros((F_HID,), dtype=jnp.float32)
    W2 = jax.random.normal(ks[9], (F_HID, F_OUT), dtype=jnp.float32) * (1.0 / np.sqrt(F_HID))
    b2 = jnp.zeros((F_OUT,), dtype=jnp.float32)
    return {"x": x, "edge_index1": edge_index1, "e_id1": e_id1,
            "edge_index2": edge_index2, "e_id2": e_id2, "edge_weight": edge_weight,
            "W1": W1, "b1": b1, "W2": W2, "b2": b2}


def _gcn_conv(x_src, row, col, w, W, b, num_src, num_dst):
    # Bipartite GCNConv with add_self_loops=True. Target nodes are the prefix
    # of the source node set (NeighborSampler convention), so self-loop edges
    # (i, i) for i < num_dst gather from x_src[i] == x_dst[i].
    x_lin = x_src @ W
    loops = jnp.arange(num_dst, dtype=row.dtype)
    row_f = jnp.concatenate([row, loops])
    col_f = jnp.concatenate([col, loops])
    w_f = jnp.concatenate([w, jnp.ones((num_dst,), dtype=w.dtype)])
    deg_dst = jax.ops.segment_sum(w_f, col_f, num_segments=num_dst)
    deg_src = jax.ops.segment_sum(w_f, row_f, num_segments=num_src)
    dinv_dst = jnp.where(deg_dst > 0, deg_dst ** -0.5, 0.0)
    dinv_src = jnp.where(deg_src > 0, deg_src ** -0.5, 0.0)
    norm = dinv_src[row_f] * w_f * dinv_dst[col_f]
    msg = x_lin[row_f] * norm[:, None]
    out = jax.ops.segment_sum(msg, col_f, num_segments=num_dst)
    return out + b


def reference(x, edge_index1, e_id1, edge_index2, e_id2, edge_weight, W1, b1, W2, b2):
    # Layer 1: (x, x[:N_DST1]) bipartite conv
    h = _gcn_conv(x, edge_index1[0], edge_index1[1], edge_weight[e_id1],
                  W1, b1, N_SRC0, N_DST1)
    h = jax.nn.relu(h)
    # dropout(p=0.5) is identity in eval mode (training=False)
    out = _gcn_conv(h, edge_index2[0], edge_index2[1], edge_weight[e_id2],
                    W2, b2, N_DST1, N_DST2)
    return jax.nn.log_softmax(out, axis=1)

if __name__ == "__main__":
    import jax
    _d = setup_inputs()
    print(jax.jit(kernel)(*tuple(_d.values())))

</pallas_src>

<mosaic_0001>
#map = affine_map<(d0, d1) -> (0)>
#map1 = affine_map<(d0, d1) -> (0, 0)>
#map2 = affine_map<(d0, d1) -> (0, 0, 0)>
module attributes {stable_mosaic.version = 14 : i64} {
  func.func @_deg_body(%arg0: i32, %arg1: i32, %arg2: memref<327680xi32, #tpu.memory_space<hbm>>, %arg3: memref<327680xi32, #tpu.memory_space<hbm>>, %arg4: memref<327680xi32, #tpu.memory_space<hbm>>, %arg5: memref<65536xi32, #tpu.memory_space<hbm>>, %arg6: memref<65536xi32, #tpu.memory_space<hbm>>, %arg7: memref<65536xi32, #tpu.memory_space<hbm>>, %arg8: memref<400008xf32, #tpu.memory_space<hbm>>, %arg9: memref<256x128xf32, #tpu.memory_space<hbm>>, %arg10: memref<327680xf32, #tpu.memory_space<hbm>>, %arg11: memref<65536xf32, #tpu.memory_space<hbm>>, %arg12: memref<2x256x128xf32, #tpu.memory_space<hbm>>, %arg13: memref<256x128xf32, #tpu.memory_space<vmem>>, %arg14: memref<10240xi32, #tpu.memory_space<vmem>>, %arg15: memref<10240xi32, #tpu.memory_space<vmem>>, %arg16: memref<10240xi32, #tpu.memory_space<vmem>>, %arg17: memref<10240xf32, #tpu.memory_space<vmem>>, %arg18: memref<1x128xi32, #tpu.memory_space<vmem>>, %arg19: memref<400008xf32, #tpu.memory_space<vmem_shared>>, %arg20: memref<256x128xf32, #tpu.memory_space<vmem_shared>>, %arg21: memref<!tpu.dma_semaphore, #tpu.memory_space<semaphore_mem>>, %arg22: memref<!tpu.dma_semaphore, #tpu.memory_space<semaphore_mem>>, %arg23: memref<!tpu.dma_semaphore, #tpu.memory_space<semaphore_mem>>, %arg24: memref<!tpu.dma_semaphore, #tpu.memory_space<semaphore_mem>>) attributes {dimension_semantics = [#tpu.dimension_semantics<core_parallel>, #tpu.dimension_semantics<subcore_parallel>], iteration_bounds = array<i64: 2, 16>, scalar_prefetch = 0 : i64, scratch_operands = 12 : i64, tpu.core_type = #tpu.core_type<sc_vector_subcore>, window_params = [{transform_indices = #map}, {transform_indices = #map}, {transform_indices = #map}, {transform_indices = #map}, {transform_indices = #map}, {transform_indices = #map}, {transform_indices = #map}, {transform_indices = #map1}, {transform_indices = #map}, {transform_indices = #map}, {transform_indices = #map2}]} {
    %mul3A = arith.constant 2 : i32
    %mul3A_0 = arith.muli %arg1, %mul3A : i32
    %add3A = arith.addi %mul3A_0, %arg0 : i32
    "tpu.region"() ({
      %run_scoped3A_171 = tpu.sem_alloc : memref<!tpu.dma_semaphore, #tpu.memory_space<semaphore_mem>>
      tpu.enqueue_dma source(%arg9 : memref<256x128xf32, #tpu.memory_space<hbm>>) target(%arg13 : memref<256x128xf32, #tpu.memory_space<vmem>>) target_semaphore(%run_scoped3A_171 : memref<!tpu.dma_semaphore, #tpu.memory_space<semaphore_mem>>)
      tpu.wait_dma2 semaphore(%run_scoped3A_171 : memref<!tpu.dma_semaphore, #tpu.memory_space<semaphore_mem>>) src(%arg9 : memref<256x128xf32, #tpu.memory_space<hbm>>) dst(%arg13 : memref<256x128xf32, #tpu.memory_space<vmem>>)
      tpu.yield
    }) : () -> ()
    %eq3A = arith.constant 0 : i32
    %eq3A_1 = arith.cmpi eq, %arg1, %eq3A : i32
    %convert_element_type3A = arith.extui %eq3A_1 : i1 to i32
    %cond3A = arith.constant 0 : i32
    %cond3A_2 = arith.cmpi ne, %convert_element_type3A, %cond3A : i32
    scf.if %cond3A_2 {
      "tpu.region"() ({
        %run_scoped3A_171 = tpu.sem_alloc : memref<!tpu.dma_semaphore, #tpu.memory_space<semaphore_mem>>
        tpu.enqueue_dma source(%arg8 : memref<400008xf32, #tpu.memory_space<hbm>>) target(%arg19 : memref<400008xf32, #tpu.memory_space<vmem_shared>>) target_semaphore(%run_scoped3A_171 : memref<!tpu.dma_semaphore, #tpu.memory_space<semaphore_mem>>)
        tpu.wait_dma2 semaphore(%run_scoped3A_171 : memref<!tpu.dma_semaphore, #tpu.memory_space<semaphore_mem>>) src(%arg8 : memref<400008xf32, #tpu.memory_space<hbm>>) dst(%arg19 : memref<400008xf32, #tpu.memory_space<vmem_shared>>)
        tpu.yield
      }) : () -> ()
      "tpu.region"() ({
        %run_scoped3A_171 = tpu.sem_alloc : memref<!tpu.dma_semaphore, #tpu.memory_space<semaphore_mem>>
        tpu.enqueue_dma source(%arg9 : memref<256x128xf32, #tpu.memory_space<hbm>>) target(%arg20 : memref<256x128xf32, #tpu.memory_space<vmem_shared>>) target_semaphore(%run_scoped3A_171 : memref<!tpu.dma_semaphore, #tpu.memory_space<semaphore_mem>>)
        tpu.wait_dma2 semaphore(%run_scoped3A_171 : memref<!tpu.dma_semaphore, #tpu.memory_space<semaphore_mem>>) src(%arg9 : memref<256x128xf32, #tpu.memory_space<hbm>>) dst(%arg20 : memref<256x128xf32, #tpu.memory_space<vmem_shared>>)
        tpu.yield
      }) : () -> ()
    } else {
    }
    %barrier3A = arith.constant 0 : index
    tpu.barrier barrier_id(%barrier3A)
    %mul3A_3 = arith.constant 10240 : i32
    %mul3A_4 = arith.muli %add3A, %mul3A_3 : i32
    "tpu.region"() ({
      %run_scoped3A_171 = tpu.sem_alloc : memref<!tpu.dma_semaphore, #tpu.memory_space<semaphore_mem>>
      %dma_start3A_172 = arith.constant 0 : i32
      %dma_start3A_173 = tpu.memref_slice %arg14[%dma_start3A_172] : memref<10240xi32, #tpu.memory_space<vmem>> -> memref<10240xi32, #tpu.memory_space<vmem>>
      %dma_start3A_174 = tpu.memref_slice %arg2[%mul3A_4] : memref<327680xi32, #tpu.memory_space<hbm>> -> memref<10240xi32, #tpu.memory_space<hbm>>
      %dma_start3A_175 = arith.constant 0 : i32
      %dma_start3A_176 = tpu.memref_slice %arg14[%dma_start3A_175] : memref<10240xi32, #tpu.memory_space<vmem>> -> memref<10240xi32, #tpu.memory_space<vmem>>
      %dma_start3A_177 = tpu.memref_slice %arg2[%mul3A_4] : memref<327680xi32, #tpu.memory_space<hbm>> -> memref<10240xi32, #tpu.memory_space<hbm>>
      tpu.enqueue_dma source(%dma_start3A_177 : memref<10240xi32, #tpu.memory_space<hbm>>) target(%dma_start3A_176 : memref<10240xi32, #tpu.memory_space<vmem>>) target_semaphore(%run_scoped3A_171 : memref<!tpu.dma_semaphore, #tpu.memory_space<semaphore_mem>>)
      %dma_wait3A = arith.constant 0 : i32
      %dma_wait3A_178 = tpu.memref_slice %arg14[%dma_wait3A] : memref<10240xi32, #tpu.memory_space<vmem>> -> memref<10240xi32, #tpu.memory_space<vmem>>
      %dma_wait3A_179 = tpu.memref_slice %arg2[%mul3A_4] : memref<327680xi32, #tpu.memory_space<hbm>> -> memref<10240xi32, #tpu.memory_space<hbm>>
      %dma_wait3A_180 = arith.constant 0 : i32
      %dma_wait3A_181 = tpu.memref_slice %arg14[%dma_wait3A_180] : memref<10240xi32, #tpu.memory_space<vmem>> -> memref<10240xi32, #tpu.memory_space<vmem>>
      %dma_wait3A_182 = tpu.memref_slice %arg2[%mul3A_4] : memref<327680xi32, #tpu.memory_space<hbm>> -> memref<10240xi32, #tpu.memory_space<hbm>>
      tpu.wait_dma2 semaphore(%run_scoped3A_171 : memref<!tpu.dma_semaphore, #tpu.memory_space<semaphore_mem>>) src(%dma_wait3A_182 : memref<10240xi32, #tpu.memory_space<hbm>>) dst(%dma_wait3A_181 : memref<10240xi32, #tpu.memory_space<vmem>>)
      tpu.yield
    }) : () -> ()
    "tpu.region"() ({
      %run_scoped3A_171 = tpu.sem_alloc : memref<!tpu.dma_semaphore, #tpu.memory_space<semaphore_mem>>
      %dma_start3A_172 = arith.constant 0 : i32
      %dma_start3A_173 = tpu.memref_slice %arg15[%dma_start3A_172] : memref<10240xi32, #tpu.memory_space<vmem>> -> memref<10240xi32, #tpu.memory_space<vmem>>
      %dma_start3A_174 = tpu.memref_slice %arg3[%mul3A_4] : memref<327680xi32, #tpu.memory_space<hbm>> -> memref<10240xi32, #tpu.memory_space<hbm>>
      %dma_start3A_175 = arith.constant 0 : i32
      %dma_start3A_176 = tpu.memref_slice %arg15[%dma_start3A_175] : memref<10240xi32, #tpu.memory_space<vmem>> -> memref<10240xi32, #tpu.memory_space<vmem>>
      %dma_start3A_177 = tpu.memref_slice %arg3[%mul3A_4] : memref<327680xi32, #tpu.memory_space<hbm>> -> memref<10240xi32, #tpu.memory_space<hbm>>
      tpu.enqueue_dma source(%dma_start3A_177 : memref<10240xi32, #tpu.memory_space<hbm>>) target(%dma_start3A_176 : memref<10240xi32, #tpu.memory_space<vmem>>) target_semaphore(%run_scoped3A_171 : memref<!tpu.dma_semaphore, #tpu.memory_space<semaphore_mem>>)
      %dma_wait3A = arith.constant 0 : i32
      %dma_wait3A_178 = tpu.memref_slice %arg15[%dma_wait3A] : memref<10240xi32, #tpu.memory_space<vmem>> -> memref<10240xi32, #tpu.memory_space<vmem>>
      %dma_wait3A_179 = tpu.memref_slice %arg3[%mul3A_4] : memref<327680xi32, #tpu.memory_space<hbm>> -> memref<10240xi32, #tpu.memory_space<hbm>>
      %dma_wait3A_180 = arith.constant 0 : i32
      %dma_wait3A_181 = tpu.memref_slice %arg15[%dma_wait3A_180] : memref<10240xi32, #tpu.memory_space<vmem>> -> memref<10240xi32, #tpu.memory_space<vmem>>
      %dma_wait3A_182 = tpu.memref_slice %arg3[%mul3A_4] : memref<327680xi32, #tpu.memory_space<hbm>> -> memref<10240xi32, #tpu.memory_space<hbm>>
      tpu.wait_dma2 semaphore(%run_scoped3A_171 : memref<!tpu.dma_semaphore, #tpu.memory_space<semaphore_mem>>) src(%dma_wait3A_182 : memref<10240xi32, #tpu.memory_space<hbm>>) dst(%dma_wait3A_181 : memref<10240xi32, #tpu.memory_space<vmem>>)
      tpu.yield
    }) : () -> ()
    "tpu.region"() ({
      %run_scoped3A_171 = tpu.sem_alloc : memref<!tpu.dma_semaphore, #tpu.memory_space<semaphore_mem>>
      %dma_start3A_172 = arith.constant 0 : i32
      %dma_start3A_173 = tpu.memref_slice %arg16[%dma_start3A_172] : memref<10240xi32, #tpu.memory_space<vmem>> -> memref<10240xi32, #tpu.memory_space<vmem>>
      %dma_start3A_174 = tpu.memref_slice %arg4[%mul3A_4] : memref<327680xi32, #tpu.memory_space<hbm>> -> memref<10240xi32, #tpu.memory_space<hbm>>
      %dma_start3A_175 = arith.constant 0 : i32
      %dma_start3A_176 = tpu.memref_slice %arg16[%dma_start3A_175] : memref<10240xi32, #tpu.memory_space<vmem>> -> memref<10240xi32, #tpu.memory_space<vmem>>
      %dma_start3A_177 = tpu.memref_slice %arg4[%mul3A_4] : memref<327680xi32, #tpu.memory_space<hbm>> -> memref<10240xi32, #tpu.memory_space<hbm>>
      tpu.enqueue_dma source(%dma_start3A_177 : memref<10240xi32, #tpu.memory_space<hbm>>) target(%dma_start3A_176 : memref<10240xi32, #tpu.memory_space<vmem>>) target_semaphore(%run_scoped3A_171 : memref<!tpu.dma_semaphore, #tpu.memory_space<semaphore_mem>>)
      %dma_wait3A = arith.constant 0 : i32
      %dma_wait3A_178 = tpu.memref_slice %arg16[%dma_wait3A] : memref<10240xi32, #tpu.memory_space<vmem>> -> memref<10240xi32, #tpu.memory_space<vmem>>
      %dma_wait3A_179 = tpu.memref_slice %arg4[%mul3A_4] : memref<327680xi32, #tpu.memory_space<hbm>> -> memref<10240xi32, #tpu.memory_space<hbm>>
      %dma_wait3A_180 = arith.constant 0 : i32
      %dma_wait3A_181 = tpu.memref_slice %arg16[%dma_wait3A_180] : memref<10240xi32, #tpu.memory_space<vmem>> -> memref<10240xi32, #tpu.memory_space<vmem>>
      %dma_wait3A_182 = tpu.memref_slice %arg4[%mul3A_4] : memref<327680xi32, #tpu.memory_space<hbm>> -> memref<10240xi32, #tpu.memory_space<hbm>>
      tpu.wait_dma2 semaphore(%run_scoped3A_171 : memref<!tpu.dma_semaphore, #tpu.memory_space<semaphore_mem>>) src(%dma_wait3A_182 : memref<10240xi32, #tpu.memory_space<hbm>>) dst(%dma_wait3A_181 : memref<10240xi32, #tpu.memory_space<vmem>>)
      tpu.yield
    }) : () -> ()
    %dma_start3A = arith.constant 0 : i32
    %dma_start3A_5 = tpu.memref_slice %arg17[%dma_start3A] : memref<10240xf32, #tpu.memory_space<vmem>> -> memref<128xf32, #tpu.memory_space<vmem>>
    %dma_start3A_6 = arith.constant 0 : i32
    %dma_start3A_7 = tpu.memref_slice %arg16[%dma_start3A_6] : memref<10240xi32, #tpu.memory_space<vmem>> -> memref<128xi32, #tpu.memory_space<vmem>>
    %dma_start3A_8 = arith.constant 0 : i32
    %dma_start3A_9 = tpu.memref_slice %arg19[%dma_start3A_8] : memref<400008xf32, #tpu.memory_space<vmem_shared>> -> memref<400008xf32, #tpu.memory_space<vmem_shared>>
    tpu.enqueue_indirect_dma source(%dma_start3A_9 : memref<400008xf32, #tpu.memory_space<vmem_shared>>) target(%dma_start3A_5 : memref<128xf32, #tpu.memory_space<vmem>>) offsets(%dma_start3A_7 : memref<128xi32, #tpu.memory_space<vmem>>) semaphore(%arg21 : memref<!tpu.dma_semaphore, #tpu.memory_space<semaphore_mem>>)
    %dma_start3A_10 = arith.constant 128 : i32
    %dma_start3A_11 = tpu.memref_slice %arg17[%dma_start3A_10] : memref<10240xf32, #tpu.memory_space<vmem>> -> memref<128xf32, #tpu.memory_space<vmem>>
    %dma_start3A_12 = arith.constant 128 : i32
    %dma_start3A_13 = tpu.memref_slice %arg16[%dma_start3A_12] : memref<10240xi32, #tpu.memory_space<vmem>> -> memref<128xi32, #tpu.memory_space<vmem>>
    %dma_start3A_14 = arith.constant 0 : i32
    %dma_start3A_15 = tpu.memref_slice %arg19[%dma_start3A_14] : memref<400008xf32, #tpu.memory_space<vmem_shared>> -> memref<400008xf32, #tpu.memory_space<vmem_shared>>
    tpu.enqueue_indirect_dma source(%dma_start3A_15 : memref<400008xf32, #tpu.memory_space<vmem_shared>>) target(%dma_start3A_11 : memref<128xf32, #tpu.memory_space<vmem>>) offsets(%dma_start3A_13 : memref<128xi32, #tpu.memory_space<vmem>>) semaphore(%arg22 : memref<!tpu.dma_semaphore, #tpu.memory_space<semaphore_mem>>)
    %dma_start3A_16 = arith.constant 256 : i32
    %dma_start3A_17 = tpu.memref_slice %arg17[%dma_start3A_16] : memref<10240xf32, #tpu.memory_space<vmem>> -> memref<128xf32, #tpu.memory_space<vmem>>
    %dma_start3A_18 = arith.constant 256 : i32
    %dma_start3A_19 = tpu.memref_slice %arg16[%dma_start3A_18] : memref<10240xi32, #tpu.memory_space<vmem>> -> memref<128xi32, #tpu.memory_space<vmem>>
    %dma_start3A_20 = arith.constant 0 : i32
    %dma_start3A_21 = tpu.memref_slice %arg19[%dma_start3A_20] : memref<400008xf32, #tpu.memory_space<vmem_shared>> -> memref<400008xf32, #tpu.memory_space<vmem_shared>>
    tpu.enqueue_indirect_dma source(%dma_start3A_21 : memref<400008xf32, #tpu.memory_space<vmem_shared>>) target(%dma_start3A_17 : memref<128xf32, #tpu.memory_space<vmem>>) offsets(%dma_start3A_19 : memref<128xi32, #tpu.memory_space<vmem>>) semaphore(%arg23 : memref<!tpu.dma_semaphore, #tpu.memory_space<semaphore_mem>>)
    %scan3A = arith.constant 0 : i32
    %scan3A_22 = arith.constant 0 : i32
    %scan3A_23 = arith.constant 20 : i32
    %scan3A_24 = arith.addi %scan3A_22, %scan3A_23 : i32
    %scan3A_25 = arith.constant 1 : i32
    scf.for %scan3A_171 = %scan3A_22 to %scan3A_24 step %scan3A_25  : i32 {
      %mul3A_172 = arith.constant 4 : i32
      %mul3A_173 = arith.muli %scan3A_171, %mul3A_172 : i32
      %add3A_174 = arith.constant 0 : i32
      %add3A_175 = arith.addi %mul3A_173, %add3A_174 : i32
      %add3A_176 = arith.constant 3 : i32
      %add3A_177 = arith.addi %add3A_175, %add3A_176 : i32
      %lt3A = arith.constant 80 : i32
      %lt3A_178 = arith.cmpi slt, %add3A_177, %lt3A : i32
      %convert_element_type3A_179 = arith.extui %lt3A_178 : i1 to i32
      %cond3A_180 = arith.constant 0 : i32
      %cond3A_181 = arith.cmpi ne, %convert_element_type3A_179, %cond3A_180 : i32
      scf.if %cond3A_181 {
        %add3A_251 = arith.constant 3 : i32
        %add3A_252 = arith.addi %add3A_175, %add3A_251 : i32
        %mul3A_253 = arith.constant 128 : i32
        %mul3A_254 = arith.muli %add3A_252, %mul3A_253 : i32
        %mul3A_255 = arith.constant 128 : i32
        %mul3A_256 = arith.muli %add3A_252, %mul3A_255 : i32
        %dma_start3A_257 = tpu.memref_slice %arg17[%mul3A_256] : memref<10240xf32, #tpu.memory_space<vmem>> -> memref<128xf32, #tpu.memory_space<vmem>>
        %dma_start3A_258 = tpu.memref_slice %arg16[%mul3A_254] : memref<10240xi32, #tpu.memory_space<vmem>> -> memref<128xi32, #tpu.memory_space<vmem>>
        %dma_start3A_259 = arith.constant 0 : i32
        %dma_start3A_260 = tpu.memref_slice %arg19[%dma_start3A_259] : memref<400008xf32, #tpu.memory_space<vmem_shared>> -> memref<400008xf32, #tpu.memory_space<vmem_shared>>
        tpu.enqueue_indirect_dma source(%dma_start3A_260 : memref<400008xf32, #tpu.memory_space<vmem_shared>>) target(%dma_start3A_257 : memref<128xf32, #tpu.memory_space<vmem>>) offsets(%dma_start3A_258 : memref<128xi32, #tpu.memory_space<vmem>>) semaphore(%arg24 : memref<!tpu.dma_semaphore, #tpu.memory_space<semaphore_mem>>)
      } else {
      }
      %mul3A_182 = arith.constant 128 : i32
      %mul3A_183 = arith.muli %add3A_175, %mul3A_182 : i32
      %dma_wait3A = tpu.memref_slice %arg17[%mul3A_183] : memref<10240xf32, #tpu.memory_space<vmem>> -> memref<128xf32, #tpu.memory_space<vmem>>
      %dma_wait3A_184 = arith.constant 0 : i32
      %dma_wait3A_185 = tpu.memref_slice %arg8[%dma_wait3A_184] : memref<400008xf32, #tpu.memory_space<hbm>> -> memref<128xf32, #tpu.memory_space<hbm>>
      %dma_wait3A_186 = tpu.memref_slice %arg17[%mul3A_183] : memref<10240xf32, #tpu.memory_space<vmem>> -> memref<128xf32, #tpu.memory_space<vmem>>
      %dma_wait3A_187 = arith.constant 0 : i32
      %dma_wait3A_188 = tpu.memref_slice %arg8[%dma_wait3A_187] : memref<400008xf32, #tpu.memory_space<hbm>> -> memref<128xf32, #tpu.memory_space<hbm>>
      tpu.wait_dma2 semaphore(%arg21 : memref<!tpu.dma_semaphore, #tpu.memory_space<semaphore_mem>>) src(%dma_wait3A_188 : memref<128xf32, #tpu.memory_space<hbm>>) dst(%dma_wait3A_186 : memref<128xf32, #tpu.memory_space<vmem>>)
      %parallel_loop3A = arith.constant 0 : i32
      %parallel_loop3A_189 = arith.constant 8 : i32
      %parallel_loop3A_190 = arith.constant 1 : i32
      scf.for %parallel_loop3A_251 = %parallel_loop3A to %parallel_loop3A_189 step %parallel_loop3A_190  : i32 {
        %parallel_loop3A_252 = arith.constant 128 : i32
        %parallel_loop3A_253 = arith.muli %add3A_175, %parallel_loop3A_252 : i32
        %parallel_loop3A_254 = arith.constant 16 : i32
        %parallel_loop3A_255 = arith.muli %parallel_loop3A_251, %parallel_loop3A_254 : i32
        %parallel_loop3A_256 = arith.addi %parallel_loop3A_253, %parallel_loop3A_255 : i32
        %parallel_loop3A_257 = arith.index_cast %parallel_loop3A_256 : i32 to index
        %parallel_loop3A_258 = tpu.vector_load %arg14[%parallel_loop3A_257] {strides = array<i32>} : memref<10240xi32, #tpu.memory_space<vmem>>, vector<16xi32>,
        %parallel_loop3A_259 = arith.index_cast %parallel_loop3A_256 : i32 to index
        %parallel_loop3A_260 = tpu.vector_load %arg15[%parallel_loop3A_259] {strides = array<i32>} : memref<10240xi32, #tpu.memory_space<vmem>>, vector<16xi32>,
        %parallel_loop3A_261 = arith.constant 10112 : i32
        %parallel_loop3A_262 = vector.broadcast %parallel_loop3A_261 : i32 to vector<16xi32>
        %parallel_loop3A_263 = arith.addi %parallel_loop3A_260, %parallel_loop3A_262 : vector<16xi32>
        %parallel_loop3A_264 = arith.index_cast %parallel_loop3A_256 : i32 to index
        %parallel_loop3A_265 = tpu.vector_load %arg17[%parallel_loop3A_264] {strides = array<i32>} : memref<10240xf32, #tpu.memory_space<vmem>>, vector<16xf32>,
        %parallel_loop3A_266 = arith.constant 7 : i32
        %parallel_loop3A_267 = vector.broadcast %parallel_loop3A_266 : i32 to vector<16xi32>
        %parallel_loop3A_268 = arith.shrsi %parallel_loop3A_258, %parallel_loop3A_267 : vector<16xi32>
        %parallel_loop3A_269 = arith.constant 127 : i32
        %parallel_loop3A_270 = vector.broadcast %parallel_loop3A_269 : i32 to vector<16xi32>
        %parallel_loop3A_271 = arith.andi %parallel_loop3A_258, %parallel_loop3A_270 : vector<16xi32>
        tpu.vector_store_idx %arg13[%parallel_loop3A_268, %parallel_loop3A_271], %parallel_loop3A_265 {add = true} : memref<256x128xf32, #tpu.memory_space<vmem>>[vector<16xi32>, vector<16xi32>], vector<16xf32>,
        %parallel_loop3A_272 = arith.constant 7 : i32
        %parallel_loop3A_273 = vector.broadcast %parallel_loop3A_272 : i32 to vector<16xi32>
        %parallel_loop3A_274 = arith.shrsi %parallel_loop3A_263, %parallel_loop3A_273 : vector<16xi32>
        %parallel_loop3A_275 = arith.constant 127 : i32
        %parallel_loop3A_276 = vector.broadcast %parallel_loop3A_275 : i32 to vector<16xi32>
        %parallel_loop3A_277 = arith.andi %parallel_loop3A_263, %parallel_loop3A_276 : vector<16xi32>
        tpu.vector_store_idx %arg13[%parallel_loop3A_274, %parallel_loop3A_277], %parallel_loop3A_265 {add = true} : memref<256x128xf32, #tpu.memory_space<vmem>>[vector<16xi32>, vector<16xi32>], vector<16xf32>,
      } {sc.loop_unroll_factor = 1 : i64, sc.parallel_access}
      %add3A_191 = arith.constant 1 : i32
      %add3A_192 = arith.addi %mul3A_173, %add3A_191 : i32
      %add3A_193 = arith.constant 3 : i32
      %add3A_194 = arith.addi %add3A_192, %add3A_193 : i32
      %lt3A_195 = arith.constant 80 : i32
      %lt3A_196 = arith.cmpi slt, %add3A_194, %lt3A_195 : i32
      %convert_element_type3A_197 = arith.extui %lt3A_196 : i1 to i32
      %cond3A_198 = arith.constant 0 : i32
      %cond3A_199 = arith.cmpi ne, %convert_element_type3A_197, %cond3A_198 : i32
      scf.if %cond3A_199 {
        %add3A_251 = arith.constant 3 : i32
        %add3A_252 = arith.addi %add3A_192, %add3A_251 : i32
        %mul3A_253 = arith.constant 128 : i32
        %mul3A_254 = arith.muli %add3A_252, %mul3A_253 : i32
        %mul3A_255 = arith.constant 128 : i32
        %mul3A_256 = arith.muli %add3A_252, %mul3A_255 : i32
        %dma_start3A_257 = tpu.memref_slice %arg17[%mul3A_256] : memref<10240xf32, #tpu.memory_space<vmem>> -> memref<128xf32, #tpu.memory_space<vmem>>
        %dma_start3A_258 = tpu.memref_slice %arg16[%mul3A_254] : memref<10240xi32, #tpu.memory_space<vmem>> -> memref<128xi32, #tpu.memory_space<vmem>>
        %dma_start3A_259 = arith.constant 0 : i32
        %dma_start3A_260 = tpu.memref_slice %arg19[%dma_start3A_259] : memref<400008xf32, #tpu.memory_space<vmem_shared>> -> memref<400008xf32, #tpu.memory_space<vmem_shared>>
        tpu.enqueue_indirect_dma source(%dma_start3A_260 : memref<400008xf32, #tpu.memory_space<vmem_shared>>) target(%dma_start3A_257 : memref<128xf32, #tpu.memory_space<vmem>>) offsets(%dma_start3A_258 : memref<128xi32, #tpu.memory_space<vmem>>) semaphore(%arg21 : memref<!tpu.dma_semaphore, #tpu.memory_space<semaphore_mem>>)
      } else {
      }
      %mul3A_200 = arith.constant 128 : i32
      %mul3A_201 = arith.muli %add3A_192, %mul3A_200 : i32
      %dma_wait3A_202 = tpu.memref_slice %arg17[%mul3A_201] : memref<10240xf32, #tpu.memory_space<vmem>> -> memref<128xf32, #tpu.memory_space<vmem>>
      %dma_wait3A_203 = arith.constant 0 : i32
      %dma_wait3A_204 = tpu.memref_slice %arg8[%dma_wait3A_203] : memref<400008xf32, #tpu.memory_space<hbm>> -> memref<128xf32, #tpu.memory_space<hbm>>
      %dma_wait3A_205 = tpu.memref_slice %arg17[%mul3A_201] : memref<10240xf32, #tpu.memory_space<vmem>> -> memref<128xf32, #tpu.memory_space<vmem>>
      %dma_wait3A_206 = arith.constant 0 : i32
      %dma_wait3A_207 = tpu.memref_slice %arg8[%dma_wait3A_206] : memref<400008xf32, #tpu.memory_space<hbm>> -> memref<128xf32, #tpu.memory_space<hbm>>
      tpu.wait_dma2 semaphore(%arg22 : memref<!tpu.dma_semaphore, #tpu.memory_space<semaphore_mem>>) src(%dma_wait3A_207 : memref<128xf32, #tpu.memory_space<hbm>>) dst(%dma_wait3A_205 : memref<128xf32, #tpu.memory_space<vmem>>)
      %parallel_loop3A_208 = arith.constant 0 : i32
      %parallel_loop3A_209 = arith.constant 8 : i32
      %parallel_loop3A_210 = arith.constant 1 : i32
      scf.for %parallel_loop3A_251 = %parallel_loop3A_208 to %parallel_loop3A_209 step %parallel_loop3A_210  : i32 {
        %parallel_loop3A_252 = arith.constant 128 : i32
        %parallel_loop3A_253 = arith.muli %add3A_192, %parallel_loop3A_252 : i32
        %parallel_loop3A_254 = arith.constant 16 : i32
        %parallel_loop3A_255 = arith.muli %parallel_loop3A_251, %parallel_loop3A_254 : i32
        %parallel_loop3A_256 = arith.addi %parallel_loop3A_253, %parallel_loop3A_255 : i32
        %parallel_loop3A_257 = arith.index_cast %parallel_loop3A_256 : i32 to index
        %parallel_loop3A_258 = tpu.vector_load %arg14[%parallel_loop3A_257] {strides = array<i32>} : memref<10240xi32, #tpu.memory_space<vmem>>, vector<16xi32>,
        %parallel_loop3A_259 = arith.index_cast %parallel_loop3A_256 : i32 to index
        %parallel_loop3A_260 = tpu.vector_load %arg15[%parallel_loop3A_259] {strides = array<i32>} : memref<10240xi32, #tpu.memory_space<vmem>>, vector<16xi32>,
        %parallel_loop3A_261 = arith.constant 10112 : i32
        %parallel_loop3A_262 = vector.broadcast %parallel_loop3A_261 : i32 to vector<16xi32>
        %parallel_loop3A_263 = arith.addi %parallel_loop3A_260, %parallel_loop3A_262 : vector<16xi32>
        %parallel_loop3A_264 = arith.index_cast %parallel_loop3A_256 : i32 to index
        %parallel_loop3A_265 = tpu.vector_load %arg17[%parallel_loop3A_264] {strides = array<i32>} : memref<10240xf32, #tpu.memory_space<vmem>>, vector<16xf32>,
        %parallel_loop3A_266 = arith.constant 7 : i32
        %parallel_loop3A_267 = vector.broadcast %parallel_loop3A_266 : i32 to vector<16xi32>
        %parallel_loop3A_268 = arith.shrsi %parallel_loop3A_258, %parallel_loop3A_267 : vector<16xi32>
        %parallel_loop3A_269 = arith.constant 127 : i32
        %parallel_loop3A_270 = vector.broadcast %parallel_loop3A_269 : i32 to vector<16xi32>
        %parallel_loop3A_271 = arith.andi %parallel_loop3A_258, %parallel_loop3A_270 : vector<16xi32>
        tpu.vector_store_idx %arg13[%parallel_loop3A_268, %parallel_loop3A_271], %parallel_loop3A_265 {add = true} : memref<256x128xf32, #tpu.memory_space<vmem>>[vector<16xi32>, vector<16xi32>], vector<16xf32>,
        %parallel_loop3A_272 = arith.constant 7 : i32
        %parallel_loop3A_273 = vector.broadcast %parallel_loop3A_272 : i32 to vector<16xi32>
        %parallel_loop3A_274 = arith.shrsi %parallel_loop3A_263, %parallel_loop3A_273 : vector<16xi32>
        %parallel_loop3A_275 = arith.constant 127 : i32
        %parallel_loop3A_276 = vector.broadcast %parallel_loop3A_275 : i32 to vector<16xi32>
        %parallel_loop3A_277 = arith.andi %parallel_loop3A_263, %parallel_loop3A_276 : vector<16xi32>
        tpu.vector_store_idx %arg13[%parallel_loop3A_274, %parallel_loop3A_277], %parallel_loop3A_265 {add = true} : memref<256x128xf32, #tpu.memory_space<vmem>>[vector<16xi32>, vector<16xi32>], vector<16xf32>,
      } {sc.loop_unroll_factor = 1 : i64, sc.parallel_access}
      %add3A_211 = arith.constant 2 : i32
      %add3A_212 = arith.addi %mul3A_173, %add3A_211 : i32
      %add3A_213 = arith.constant 3 : i32
      %add3A_214 = arith.addi %add3A_212, %add3A_213 : i32
      %lt3A_215 = arith.constant 80 : i32
      %lt3A_216 = arith.cmpi slt, %add3A_214, %lt3A_215 : i32
      %convert_element_type3A_217 = arith.extui %lt3A_216 : i1 to i32
      %cond3A_218 = arith.constant 0 : i32
      %cond3A_219 = arith.cmpi ne, %convert_element_type3A_217, %cond3A_218 : i32
      scf.if %cond3A_219 {
        %add3A_251 = arith.constant 3 : i32
        %add3A_252 = arith.addi %add3A_212, %add3A_251 : i32
        %mul3A_253 = arith.constant 128 : i32
        %mul3A_254 = arith.muli %add3A_252, %mul3A_253 : i32
        %mul3A_255 = arith.constant 128 : i32
        %mul3A_256 = arith.muli %add3A_252, %mul3A_255 : i32
        %dma_start3A_257 = tpu.memref_slice %arg17[%mul3A_256] : memref<10240xf32, #tpu.memory_space<vmem>> -> memref<128xf32, #tpu.memory_space<vmem>>
        %dma_start3A_258 = tpu.memref_slice %arg16[%mul3A_254] : memref<10240xi32, #tpu.memory_space<vmem>> -> memref<128xi32, #tpu.memory_space<vmem>>
        %dma_start3A_259 = arith.constant 0 : i32
        %dma_start3A_260 = tpu.memref_slice %arg19[%dma_start3A_259] : memref<400008xf32, #tpu.memory_space<vmem_shared>> -> memref<400008xf32, #tpu.memory_space<vmem_shared>>
        tpu.enqueue_indirect_dma source(%dma_start3A_260 : memref<400008xf32, #tpu.memory_space<vmem_shared>>) target(%dma_start3A_257 : memref<128xf32, #tpu.memory_space<vmem>>) offsets(%dma_start3A_258 : memref<128xi32, #tpu.memory_space<vmem>>) semaphore(%arg22 : memref<!tpu.dma_semaphore, #tpu.memory_space<semaphore_mem>>)
      } else {
      }
      %mul3A_220 = arith.constant 128 : i32
      %mul3A_221 = arith.muli %add3A_212, %mul3A_220 : i32
      %dma_wait3A_222 = tpu.memref_slice %arg17[%mul3A_221] : memref<10240xf32, #tpu.memory_space<vmem>> -> memref<128xf32, #tpu.memory_space<vmem>>
      %dma_wait3A_223 = arith.constant 0 : i32
      %dma_wait3A_224 = tpu.memref_slice %arg8[%dma_wait3A_223] : memref<400008xf32, #tpu.memory_space<hbm>> -> memref<128xf32, #tpu.memory_space<hbm>>
      %dma_wait3A_225 = tpu.memref_slice %arg17[%mul3A_221] : memref<10240xf32, #tpu.memory_space<vmem>> -> memref<128xf32, #tpu.memory_space<vmem>>
      %dma_wait3A_226 = arith.constant 0 : i32
      %dma_wait3A_227 = tpu.memref_slice %arg8[%dma_wait3A_226] : memref<400008xf32, #tpu.memory_space<hbm>> -> memref<128xf32, #tpu.memory_space<hbm>>
      tpu.wait_dma2 semaphore(%arg23 : memref<!tpu.dma_semaphore, #tpu.memory_space<semaphore_mem>>) src(%dma_wait3A_227 : memref<128xf32, #tpu.memory_space<hbm>>) dst(%dma_wait3A_225 : memref<128xf32, #tpu.memory_space<vmem>>)
      %parallel_loop3A_228 = arith.constant 0 : i32
      %parallel_loop3A_229 = arith.constant 8 : i32
      %parallel_loop3A_230 = arith.constant 1 : i32
      scf.for %parallel_loop3A_251 = %parallel_loop3A_228 to %parallel_loop3A_229 step %parallel_loop3A_230  : i32 {
        %parallel_loop3A_252 = arith.constant 128 : i32
        %parallel_loop3A_253 = arith.muli %add3A_212, %parallel_loop3A_252 : i32
        %parallel_loop3A_254 = arith.constant 16 : i32
        %parallel_loop3A_255 = arith.muli %parallel_loop3A_251, %parallel_loop3A_254 : i32
        %parallel_loop3A_256 = arith.addi %parallel_loop3A_253, %parallel_loop3A_255 : i32
        %parallel_loop3A_257 = arith.index_cast %parallel_loop3A_256 : i32 to index
        %parallel_loop3A_258 = tpu.vector_load %arg14[%parallel_loop3A_257] {strides = array<i32>} : memref<10240xi32, #tpu.memory_space<vmem>>, vector<16xi32>,
        %parallel_loop3A_259 = arith.index_cast %parallel_loop3A_256 : i32 to index
        %parallel_loop3A_260 = tpu.vector_load %arg15[%parallel_loop3A_259] {strides = array<i32>} : memref<10240xi32, #tpu.memory_space<vmem>>, vector<16xi32>,
        %parallel_loop3A_261 = arith.constant 10112 : i32
        %parallel_loop3A_262 = vector.broadcast %parallel_loop3A_261 : i32 to vector<16xi32>
        %parallel_loop3A_263 = arith.addi %parallel_loop3A_260, %parallel_loop3A_262 : vector<16xi32>
        %parallel_loop3A_264 = arith.index_cast %parallel_loop3A_256 : i32 to index
        %parallel_loop3A_265 = tpu.vector_load %arg17[%parallel_loop3A_264] {strides = array<i32>} : memref<10240xf32, #tpu.memory_space<vmem>>, vector<16xf32>,
        %parallel_loop3A_266 = arith.constant 7 : i32
        %parallel_loop3A_267 = vector.broadcast %parallel_loop3A_266 : i32 to vector<16xi32>
        %parallel_loop3A_268 = arith.shrsi %parallel_loop3A_258, %parallel_loop3A_267 : vector<16xi32>
        %parallel_loop3A_269 = arith.constant 127 : i32
        %parallel_loop3A_270 = vector.broadcast %parallel_loop3A_269 : i32 to vector<16xi32>
        %parallel_loop3A_271 = arith.andi %parallel_loop3A_258, %parallel_loop3A_270 : vector<16xi32>
        tpu.vector_store_idx %arg13[%parallel_loop3A_268, %parallel_loop3A_271], %parallel_loop3A_265 {add = true} : memref<256x128xf32, #tpu.memory_space<vmem>>[vector<16xi32>, vector<16xi32>], vector<16xf32>,
        %parallel_loop3A_272 = arith.constant 7 : i32
        %parallel_loop3A_273 = vector.broadcast %parallel_loop3A_272 : i32 to vector<16xi32>
        %parallel_loop3A_274 = arith.shrsi %parallel_loop3A_263, %parallel_loop3A_273 : vector<16xi32>
        %parallel_loop3A_275 = arith.constant 127 : i32
        %parallel_loop3A_276 = vector.broadcast %parallel_loop3A_275 : i32 to vector<16xi32>
        %parallel_loop3A_277 = arith.andi %parallel_loop3A_263, %parallel_loop3A_276 : vector<16xi32>
        tpu.vector_store_idx %arg13[%parallel_loop3A_274, %parallel_loop3A_277], %parallel_loop3A_265 {add = true} : memref<256x128xf32, #tpu.memory_space<vmem>>[vector<16xi32>, vector<16xi32>], vector<16xf32>,
      } {sc.loop_unroll_factor = 1 : i64, sc.parallel_access}
      %add3A_231 = arith.constant 3 : i32
      %add3A_232 = arith.addi %mul3A_173, %add3A_231 : i32
      %add3A_233 = arith.constant 3 : i32
      %add3A_234 = arith.addi %add3A_232, %add3A_233 : i32
      %lt3A_235 = arith.constant 80 : i32
      %lt3A_236 = arith.cmpi slt, %add3A_234, %lt3A_235 : i32
      %convert_element_type3A_237 = arith.extui %lt3A_236 : i1 to i32
      %cond3A_238 = arith.constant 0 : i32
      %cond3A_239 = arith.cmpi ne, %convert_element_type3A_237, %cond3A_238 : i32
      scf.if %cond3A_239 {
        %add3A_251 = arith.constant 3 : i32
        %add3A_252 = arith.addi %add3A_232, %add3A_251 : i32
        %mul3A_253 = arith.constant 128 : i32
        %mul3A_254 = arith.muli %add3A_252, %mul3A_253 : i32
        %mul3A_255 = arith.constant 128 : i32
        %mul3A_256 = arith.muli %add3A_252, %mul3A_255 : i32
        %dma_start3A_257 = tpu.memref_slice %arg17[%mul3A_256] : memref<10240xf32, #tpu.memory_space<vmem>> -> memref<128xf32, #tpu.memory_space<vmem>>
        %dma_start3A_258 = tpu.memref_slice %arg16[%mul3A_254] : memref<10240xi32, #tpu.memory_space<vmem>> -> memref<128xi32, #tpu.memory_space<vmem>>
        %dma_start3A_259 = arith.constant 0 : i32
        %dma_start3A_260 = tpu.memref_slice %arg19[%dma_start3A_259] : memref<400008xf32, #tpu.memory_space<vmem_shared>> -> memref<400008xf32, #tpu.memory_space<vmem_shared>>
        tpu.enqueue_indirect_dma source(%dma_start3A_260 : memref<400008xf32, #tpu.memory_space<vmem_shared>>) target(%dma_start3A_257 : memref<128xf32, #tpu.memory_space<vmem>>) offsets(%dma_start3A_258 : memref<128xi32, #tpu.memory_space<vmem>>) semaphore(%arg23 : memref<!tpu.dma_semaphore, #tpu.memory_space<semaphore_mem>>)
      } else {
      }
      %mul3A_240 = arith.constant 128 : i32
      %mul3A_241 = arith.muli %add3A_232, %mul3A_240 : i32
      %dma_wait3A_242 = tpu.memref_slice %arg17[%mul3A_241] : memref<10240xf32, #tpu.memory_space<vmem>> -> memref<128xf32, #tpu.memory_space<vmem>>
      %dma_wait3A_243 = arith.constant 0 : i32
      %dma_wait3A_244 = tpu.memref_slice %arg8[%dma_wait3A_243] : memref<400008xf32, #tpu.memory_space<hbm>> -> memref<128xf32, #tpu.memory_space<hbm>>
      %dma_wait3A_245 = tpu.memref_slice %arg17[%mul3A_241] : memref<10240xf32, #tpu.memory_space<vmem>> -> memref<128xf32, #tpu.memory_space<vmem>>
      %dma_wait3A_246 = arith.constant 0 : i32
      %dma_wait3A_247 = tpu.memref_slice %arg8[%dma_wait3A_246] : memref<400008xf32, #tpu.memory_space<hbm>> -> memref<128xf32, #tpu.memory_space<hbm>>
      tpu.wait_dma2 semaphore(%arg24 : memref<!tpu.dma_semaphore, #tpu.memory_space<semaphore_mem>>) src(%dma_wait3A_247 : memref<128xf32, #tpu.memory_space<hbm>>) dst(%dma_wait3A_245 : memref<128xf32, #tpu.memory_space<vmem>>)
      %parallel_loop3A_248 = arith.constant 0 : i32
      %parallel_loop3A_249 = arith.constant 8 : i32
      %parallel_loop3A_250 = arith.constant 1 : i32
      scf.for %parallel_loop3A_251 = %parallel_loop3A_248 to %parallel_loop3A_249 step %parallel_loop3A_250  : i32 {
        %parallel_loop3A_252 = arith.constant 128 : i32
        %parallel_loop3A_253 = arith.muli %add3A_232, %parallel_loop3A_252 : i32
        %parallel_loop3A_254 = arith.constant 16 : i32
        %parallel_loop3A_255 = arith.muli %parallel_loop3A_251, %parallel_loop3A_254 : i32
        %parallel_loop3A_256 = arith.addi %parallel_loop3A_253, %parallel_loop3A_255 : i32
        %parallel_loop3A_257 = arith.index_cast %parallel_loop3A_256 : i32 to index
        %parallel_loop3A_258 = tpu.vector_load %arg14[%parallel_loop3A_257] {strides = array<i32>} : memref<10240xi32, #tpu.memory_space<vmem>>, vector<16xi32>,
        %parallel_loop3A_259 = arith.index_cast %parallel_loop3A_256 : i32 to index
        %parallel_loop3A_260 = tpu.vector_load %arg15[%parallel_loop3A_259] {strides = array<i32>} : memref<10240xi32, #tpu.memory_space<vmem>>, vector<16xi32>,
        %parallel_loop3A_261 = arith.constant 10112 : i32
        %parallel_loop3A_262 = vector.broadcast %parallel_loop3A_261 : i32 to vector<16xi32>
        %parallel_loop3A_263 = arith.addi %parallel_loop3A_260, %parallel_loop3A_262 : vector<16xi32>
        %parallel_loop3A_264 = arith.index_cast %parallel_loop3A_256 : i32 to index
        %parallel_loop3A_265 = tpu.vector_load %arg17[%parallel_loop3A_264] {strides = array<i32>} : memref<10240xf32, #tpu.memory_space<vmem>>, vector<16xf32>,
        %parallel_loop3A_266 = arith.constant 7 : i32
        %parallel_loop3A_267 = vector.broadcast %parallel_loop3A_266 : i32 to vector<16xi32>
        %parallel_loop3A_268 = arith.shrsi %parallel_loop3A_258, %parallel_loop3A_267 : vector<16xi32>
        %parallel_loop3A_269 = arith.constant 127 : i32
        %parallel_loop3A_270 = vector.broadcast %parallel_loop3A_269 : i32 to vector<16xi32>
        %parallel_loop3A_271 = arith.andi %parallel_loop3A_258, %parallel_loop3A_270 : vector<16xi32>
        tpu.vector_store_idx %arg13[%parallel_loop3A_268, %parallel_loop3A_271], %parallel_loop3A_265 {add = true} : memref<256x128xf32, #tpu.memory_space<vmem>>[vector<16xi32>, vector<16xi32>], vector<16xf32>,
        %parallel_loop3A_272 = arith.constant 7 : i32
        %parallel_loop3A_273 = vector.broadcast %parallel_loop3A_272 : i32 to vector<16xi32>
        %parallel_loop3A_274 = arith.shrsi %parallel_loop3A_263, %parallel_loop3A_273 : vector<16xi32>
        %parallel_loop3A_275 = arith.constant 127 : i32
        %parallel_loop3A_276 = vector.broadcast %parallel_loop3A_275 : i32 to vector<16xi32>
        %parallel_loop3A_277 = arith.andi %parallel_loop3A_263, %parallel_loop3A_276 : vector<16xi32>
        tpu.vector_store_idx %arg13[%parallel_loop3A_274, %parallel_loop3A_277], %parallel_loop3A_265 {add = true} : memref<256x128xf32, #tpu.memory_space<vmem>>[vector<16xi32>, vector<16xi32>], vector<16xf32>,
      } {sc.loop_unroll_factor = 1 : i64, sc.parallel_access}
    }
    %scan3A_26 = arith.constant 20 : i32
    "tpu.region"() ({
      %run_scoped3A_171 = tpu.sem_alloc : memref<!tpu.dma_semaphore, #tpu.memory_space<semaphore_mem>>
      %dma_start3A_172 = arith.constant 0 : i32
      %dma_start3A_173 = tpu.memref_slice %arg17[%dma_start3A_172] : memref<10240xf32, #tpu.memory_space<vmem>> -> memref<10240xf32, #tpu.memory_space<vmem>>
      %dma_start3A_174 = tpu.memref_slice %arg10[%mul3A_4] : memref<327680xf32, #tpu.memory_space<hbm>> -> memref<10240xf32, #tpu.memory_space<hbm>>
      %dma_start3A_175 = tpu.memref_slice %arg10[%mul3A_4] : memref<327680xf32, #tpu.memory_space<hbm>> -> memref<10240xf32, #tpu.memory_space<hbm>>
      %dma_start3A_176 = arith.constant 0 : i32
      %dma_start3A_177 = tpu.memref_slice %arg17[%dma_start3A_176] : memref<10240xf32, #tpu.memory_space<vmem>> -> memref<10240xf32, #tpu.memory_space<vmem>>
      tpu.enqueue_dma source(%dma_start3A_177 : memref<10240xf32, #tpu.memory_space<vmem>>) target(%dma_start3A_175 : memref<10240xf32, #tpu.memory_space<hbm>>) target_semaphore(%run_scoped3A_171 : memref<!tpu.dma_semaphore, #tpu.memory_space<semaphore_mem>>)
      %dma_wait3A = arith.constant 0 : i32
      %dma_wait3A_178 = tpu.memref_slice %arg17[%dma_wait3A] : memref<10240xf32, #tpu.memory_space<vmem>> -> memref<10240xf32, #tpu.memory_space<vmem>>
      %dma_wait3A_179 = tpu.memref_slice %arg10[%mul3A_4] : memref<327680xf32, #tpu.memory_space<hbm>> -> memref<10240xf32, #tpu.memory_space<hbm>>
      %dma_wait3A_180 = tpu.memref_slice %arg10[%mul3A_4] : memref<327680xf32, #tpu.memory_space<hbm>> -> memref<10240xf32, #tpu.memory_space<hbm>>
      %dma_wait3A_181 = arith.constant 0 : i32
      %dma_wait3A_182 = tpu.memref_slice %arg17[%dma_wait3A_181] : memref<10240xf32, #tpu.memory_space<vmem>> -> memref<10240xf32, #tpu.memory_space<vmem>>
      tpu.wait_dma2 semaphore(%run_scoped3A_171 : memref<!tpu.dma_semaphore, #tpu.memory_space<semaphore_mem>>) src(%dma_wait3A_182 : memref<10240xf32, #tpu.memory_space<vmem>>) dst(%dma_wait3A_180 : memref<10240xf32, #tpu.memory_space<hbm>>)
      tpu.yield
    }) : () -> ()
    %mul3A_27 = arith.constant 2048 : i32
    %mul3A_28 = arith.muli %add3A, %mul3A_27 : i32
    "tpu.region"() ({
      %run_scoped3A_171 = tpu.sem_alloc : memref<!tpu.dma_semaphore, #tpu.memory_space<semaphore_mem>>
      %dma_start3A_172 = arith.constant 0 : i32
      %dma_start3A_173 = tpu.memref_slice %arg14[%dma_start3A_172] : memref<10240xi32, #tpu.memory_space<vmem>> -> memref<2048xi32, #tpu.memory_space<vmem>>
      %dma_start3A_174 = tpu.memref_slice %arg5[%mul3A_28] : memref<65536xi32, #tpu.memory_space<hbm>> -> memref<2048xi32, #tpu.memory_space<hbm>>
      %dma_start3A_175 = arith.constant 0 : i32
      %dma_start3A_176 = tpu.memref_slice %arg14[%dma_start3A_175] : memref<10240xi32, #tpu.memory_space<vmem>> -> memref<2048xi32, #tpu.memory_space<vmem>>
      %dma_start3A_177 = tpu.memref_slice %arg5[%mul3A_28] : memref<65536xi32, #tpu.memory_space<hbm>> -> memref<2048xi32, #tpu.memory_space<hbm>>
      tpu.enqueue_dma source(%dma_start3A_177 : memref<2048xi32, #tpu.memory_space<hbm>>) target(%dma_start3A_176 : memref<2048xi32, #tpu.memory_space<vmem>>) target_semaphore(%run_scoped3A_171 : memref<!tpu.dma_semaphore, #tpu.memory_space<semaphore_mem>>)
      %dma_wait3A = arith.constant 0 : i32
      %dma_wait3A_178 = tpu.memref_slice %arg14[%dma_wait3A] : memref<10240xi32, #tpu.memory_space<vmem>> -> memref<2048xi32, #tpu.memory_space<vmem>>
      %dma_wait3A_179 = tpu.memref_slice %arg5[%mul3A_28] : memref<65536xi32, #tpu.memory_space<hbm>> -> memref<2048xi32, #tpu.memory_space<hbm>>
      %dma_wait3A_180 = arith.constant 0 : i32
      %dma_wait3A_181 = tpu.memref_slice %arg14[%dma_wait3A_180] : memref<10240xi32, #tpu.memory_space<vmem>> -> memref<2048xi32, #tpu.memory_space<vmem>>
      %dma_wait3A_182 = tpu.memref_slice %arg5[%mul3A_28] : memref<65536xi32, #tpu.memory_space<hbm>> -> memref<2048xi32, #tpu.memory_space<hbm>>
      tpu.wait_dma2 semaphore(%run_scoped3A_171 : memref<!tpu.dma_semaphore, #tpu.memory_space<semaphore_mem>>) src(%dma_wait3A_182 : memref<2048xi32, #tpu.memory_space<hbm>>) dst(%dma_wait3A_181 : memref<2048xi32, #tpu.memory_space<vmem>>)
      tpu.yield
    }) : () -> ()
    "tpu.region"() ({
      %run_scoped3A_171 = tpu.sem_alloc : memref<!tpu.dma_semaphore, #tpu.memory_space<semaphore_mem>>
      %dma_start3A_172 = arith.constant 0 : i32
      %dma_start3A_173 = tpu.memref_slice %arg15[%dma_start3A_172] : memref<10240xi32, #tpu.memory_space<vmem>> -> memref<2048xi32, #tpu.memory_space<vmem>>
      %dma_start3A_174 = tpu.memref_slice %arg6[%mul3A_28] : memref<65536xi32, #tpu.memory_space<hbm>> -> memref<2048xi32, #tpu.memory_space<hbm>>
      %dma_start3A_175 = arith.constant 0 : i32
      %dma_start3A_176 = tpu.memref_slice %arg15[%dma_start3A_175] : memref<10240xi32, #tpu.memory_space<vmem>> -> memref<2048xi32, #tpu.memory_space<vmem>>
      %dma_start3A_177 = tpu.memref_slice %arg6[%mul3A_28] : memref<65536xi32, #tpu.memory_space<hbm>> -> memref<2048xi32, #tpu.memory_space<hbm>>
      tpu.enqueue_dma source(%dma_start3A_177 : memref<2048xi32, #tpu.memory_space<hbm>>) target(%dma_start3A_176 : memref<2048xi32, #tpu.memory_space<vmem>>) target_semaphore(%run_scoped3A_171 : memref<!tpu.dma_semaphore, #tpu.memory_space<semaphore_mem>>)
      %dma_wait3A = arith.constant 0 : i32
      %dma_wait3A_178 = tpu.memref_slice %arg15[%dma_wait3A] : memref<10240xi32, #tpu.memory_space<vmem>> -> memref<2048xi32, #tpu.memory_space<vmem>>
      %dma_wait3A_179 = tpu.memref_slice %arg6[%mul3A_28] : memref<65536xi32, #tpu.memory_space<hbm>> -> memref<2048xi32, #tpu.memory_space<hbm>>
      %dma_wait3A_180 = arith.constant 0 : i32
      %dma_wait3A_181 = tpu.memref_slice %arg15[%dma_wait3A_180] : memref<10240xi32, #tpu.memory_space<vmem>> -> memref<2048xi32, #tpu.memory_space<vmem>>
      %dma_wait3A_182 = tpu.memref_slice %arg6[%mul3A_28] : memref<65536xi32, #tpu.memory_space<hbm>> -> memref<2048xi32, #tpu.memory_space<hbm>>
      tpu.wait_dma2 semaphore(%run_scoped3A_171 : memref<!tpu.dma_semaphore, #tpu.memory_space<semaphore_mem>>) src(%dma_wait3A_182 : memref<2048xi32, #tpu.memory_space<hbm>>) dst(%dma_wait3A_181 : memref<2048xi32, #tpu.memory_space<vmem>>)
      tpu.yield
    }) : () -> ()
    "tpu.region"() ({
      %run_scoped3A_171 = tpu.sem_alloc : memref<!tpu.dma_semaphore, #tpu.memory_space<semaphore_mem>>
      %dma_start3A_172 = arith.constant 0 : i32
      %dma_start3A_173 = tpu.memref_slice %arg16[%dma_start3A_172] : memref<10240xi32, #tpu.memory_space<vmem>> -> memref<2048xi32, #tpu.memory_space<vmem>>
      %dma_start3A_174 = tpu.memref_slice %arg7[%mul3A_28] : memref<65536xi32, #tpu.memory_space<hbm>> -> memref<2048xi32, #tpu.memory_space<hbm>>
      %dma_start3A_175 = arith.constant 0 : i32
      %dma_start3A_176 = tpu.memref_slice %arg16[%dma_start3A_175] : memref<10240xi32, #tpu.memory_space<vmem>> -> memref<2048xi32, #tpu.memory_space<vmem>>
      %dma_start3A_177 = tpu.memref_slice %arg7[%mul3A_28] : memref<65536xi32, #tpu.memory_space<hbm>> -> memref<2048xi32, #tpu.memory_space<hbm>>
      tpu.enqueue_dma source(%dma_start3A_177 : memref<2048xi32, #tpu.memory_space<hbm>>) target(%dma_start3A_176 : memref<2048xi32, #tpu.memory_space<vmem>>) target_semaphore(%run_scoped3A_171 : memref<!tpu.dma_semaphore, #tpu.memory_space<semaphore_mem>>)
      %dma_wait3A = arith.constant 0 : i32
      %dma_wait3A_178 = tpu.memref_slice %arg16[%dma_wait3A] : memref<10240xi32, #tpu.memory_space<vmem>> -> memref<2048xi32, #tpu.memory_space<vmem>>
      %dma_wait3A_179 = tpu.memref_slice %arg7[%mul3A_28] : memref<65536xi32, #tpu.memory_space<hbm>> -> memref<2048xi32, #tpu.memory_space<hbm>>
      %dma_wait3A_180 = arith.constant 0 : i32
      %dma_wait3A_181 = tpu.memref_slice %arg16[%dma_wait3A_180] : memref<10240xi32, #tpu.memory_space<vmem>> -> memref<2048xi32, #tpu.memory_space<vmem>>
      %dma_wait3A_182 = tpu.memref_slice %arg7[%mul3A_28] : memref<65536xi32, #tpu.memory_space<hbm>> -> memref<2048xi32, #tpu.memory_space<hbm>>
      tpu.wait_dma2 semaphore(%run_scoped3A_171 : memref<!tpu.dma_semaphore, #tpu.memory_space<semaphore_mem>>) src(%dma_wait3A_182 : memref<2048xi32, #tpu.memory_space<hbm>>) dst(%dma_wait3A_181 : memref<2048xi32, #tpu.memory_space<vmem>>)
      tpu.yield
    }) : () -> ()
    %dma_start3A_29 = arith.constant 0 : i32
    %dma_start3A_30 = tpu.memref_slice %arg17[%dma_start3A_29] : memref<10240xf32, #tpu.memory_space<vmem>> -> memref<128xf32, #tpu.memory_space<vmem>>
    %dma_start3A_31 = arith.constant 0 : i32
    %dma_start3A_32 = tpu.memref_slice %arg16[%dma_start3A_31] : memref<10240xi32, #tpu.memory_space<vmem>> -> memref<128xi32, #tpu.memory_space<vmem>>
    %dma_start3A_33 = arith.constant 0 : i32
    %dma_start3A_34 = tpu.memref_slice %arg19[%dma_start3A_33] : memref<400008xf32, #tpu.memory_space<vmem_shared>> -> memref<400008xf32, #tpu.memory_space<vmem_shared>>
    tpu.enqueue_indirect_dma source(%dma_start3A_34 : memref<400008xf32, #tpu.memory_space<vmem_shared>>) target(%dma_start3A_30 : memref<128xf32, #tpu.memory_space<vmem>>) offsets(%dma_start3A_32 : memref<128xi32, #tpu.memory_space<vmem>>) semaphore(%arg21 : memref<!tpu.dma_semaphore, #tpu.memory_space<semaphore_mem>>)
    %dma_start3A_35 = arith.constant 128 : i32
    %dma_start3A_36 = tpu.memref_slice %arg17[%dma_start3A_35] : memref<10240xf32, #tpu.memory_space<vmem>> -> memref<128xf32, #tpu.memory_space<vmem>>
    %dma_start3A_37 = arith.constant 128 : i32
    %dma_start3A_38 = tpu.memref_slice %arg16[%dma_start3A_37] : memref<10240xi32, #tpu.memory_space<vmem>> -> memref<128xi32, #tpu.memory_space<vmem>>
    %dma_start3A_39 = arith.constant 0 : i32
    %dma_start3A_40 = tpu.memref_slice %arg19[%dma_start3A_39] : memref<400008xf32, #tpu.memory_space<vmem_shared>> -> memref<400008xf32, #tpu.memory_space<vmem_shared>>
    tpu.enqueue_indirect_dma source(%dma_start3A_40 : memref<400008xf32, #tpu.memory_space<vmem_shared>>) target(%dma_start3A_36 : memref<128xf32, #tpu.memory_space<vmem>>) offsets(%dma_start3A_38 : memref<128xi32, #tpu.memory_space<vmem>>) semaphore(%arg22 : memref<!tpu.dma_semaphore, #tpu.memory_space<semaphore_mem>>)
    %dma_start3A_41 = arith.constant 256 : i32
    %dma_start3A_42 = tpu.memref_slice %arg17[%dma_start3A_41] : memref<10240xf32, #tpu.memory_space<vmem>> -> memref<128xf32, #tpu.memory_space<vmem>>
    %dma_start3A_43 = arith.constant 256 : i32
    %dma_start3A_44 = tpu.memref_slice %arg16[%dma_start3A_43] : memref<10240xi32, #tpu.memory_space<vmem>> -> memref<128xi32, #tpu.memory_space<vmem>>
    %dma_start3A_45 = arith.constant 0 : i32
    %dma_start3A_46 = tpu.memref_slice %arg19[%dma_start3A_45] : memref<400008xf32, #tpu.memory_space<vmem_shared>> -> memref<400008xf32, #tpu.memory_space<vmem_shared>>
    tpu.enqueue_indirect_dma source(%dma_start3A_46 : memref<400008xf32, #tpu.memory_space<vmem_shared>>) target(%dma_start3A_42 : memref<128xf32, #tpu.memory_space<vmem>>) offsets(%dma_start3A_44 : memref<128xi32, #tpu.memory_space<vmem>>) semaphore(%arg23 : memref<!tpu.dma_semaphore, #tpu.memory_space<semaphore_mem>>)
    %scan3A_47 = arith.constant 0 : i32
    %scan3A_48 = arith.constant 0 : i32
    %scan3A_49 = arith.constant 4 : i32
    %scan3A_50 = arith.addi %scan3A_48, %scan3A_49 : i32
    %scan3A_51 = arith.constant 1 : i32
    scf.for %scan3A_171 = %scan3A_48 to %scan3A_50 step %scan3A_51  : i32 {
      %mul3A_172 = arith.constant 4 : i32
      %mul3A_173 = arith.muli %scan3A_171, %mul3A_172 : i32
      %add3A_174 = arith.constant 0 : i32
      %add3A_175 = arith.addi %mul3A_173, %add3A_174 : i32
      %add3A_176 = arith.constant 3 : i32
      %add3A_177 = arith.addi %add3A_175, %add3A_176 : i32
      %lt3A = arith.constant 16 : i32
      %lt3A_178 = arith.cmpi slt, %add3A_177, %lt3A : i32
      %convert_element_type3A_179 = arith.extui %lt3A_178 : i1 to i32
      %cond3A_180 = arith.constant 0 : i32
      %cond3A_181 = arith.cmpi ne, %convert_element_type3A_179, %cond3A_180 : i32
      scf.if %cond3A_181 {
        %add3A_251 = arith.constant 3 : i32
        %add3A_252 = arith.addi %add3A_175, %add3A_251 : i32
        %mul3A_253 = arith.constant 128 : i32
        %mul3A_254 = arith.muli %add3A_252, %mul3A_253 : i32
        %mul3A_255 = arith.constant 128 : i32
        %mul3A_256 = arith.muli %add3A_252, %mul3A_255 : i32
        %dma_start3A_257 = tpu.memref_slice %arg17[%mul3A_256] : memref<10240xf32, #tpu.memory_space<vmem>> -> memref<128xf32, #tpu.memory_space<vmem>>
        %dma_start3A_258 = tpu.memref_slice %arg16[%mul3A_254] : memref<10240xi32, #tpu.memory_space<vmem>> -> memref<128xi32, #tpu.memory_space<vmem>>
        %dma_start3A_259 = arith.constant 0 : i32
        %dma_start3A_260 = tpu.memref_slice %arg19[%dma_start3A_259] : memref<400008xf32, #tpu.memory_space<vmem_shared>> -> memref<400008xf32, #tpu.memory_space<vmem_shared>>
        tpu.enqueue_indirect_dma source(%dma_start3A_260 : memref<400008xf32, #tpu.memory_space<vmem_shared>>) target(%dma_start3A_257 : memref<128xf32, #tpu.memory_space<vmem>>) offsets(%dma_start3A_258 : memref<128xi32, #tpu.memory_space<vmem>>) semaphore(%arg24 : memref<!tpu.dma_semaphore, #tpu.memory_space<semaphore_mem>>)
      } else {
      }
      %mul3A_182 = arith.constant 128 : i32
      %mul3A_183 = arith.muli %add3A_175, %mul3A_182 : i32
      %dma_wait3A = tpu.memref_slice %arg17[%mul3A_183] : memref<10240xf32, #tpu.memory_space<vmem>> -> memref<128xf32, #tpu.memory_space<vmem>>
      %dma_wait3A_184 = arith.constant 0 : i32
      %dma_wait3A_185 = tpu.memref_slice %arg8[%dma_wait3A_184] : memref<400008xf32, #tpu.memory_space<hbm>> -> memref<128xf32, #tpu.memory_space<hbm>>
      %dma_wait3A_186 = tpu.memref_slice %arg17[%mul3A_183] : memref<10240xf32, #tpu.memory_space<vmem>> -> memref<128xf32, #tpu.memory_space<vmem>>
      %dma_wait3A_187 = arith.constant 0 : i32
      %dma_wait3A_188 = tpu.memref_slice %arg8[%dma_wait3A_187] : memref<400008xf32, #tpu.memory_space<hbm>> -> memref<128xf32, #tpu.memory_space<hbm>>
      tpu.wait_dma2 semaphore(%arg21 : memref<!tpu.dma_semaphore, #tpu.memory_space<semaphore_mem>>) src(%dma_wait3A_188 : memref<128xf32, #tpu.memory_space<hbm>>) dst(%dma_wait3A_186 : memref<128xf32, #tpu.memory_space<vmem>>)
      %parallel_loop3A = arith.constant 0 : i32
      %parallel_loop3A_189 = arith.constant 8 : i32
      %parallel_loop3A_190 = arith.constant 1 : i32
      scf.for %parallel_loop3A_251 = %parallel_loop3A to %parallel_loop3A_189 step %parallel_loop3A_190  : i32 {
        %parallel_loop3A_252 = arith.constant 128 : i32
        %parallel_loop3A_253 = arith.muli %add3A_175, %parallel_loop3A_252 : i32
        %parallel_loop3A_254 = arith.constant 16 : i32
        %parallel_loop3A_255 = arith.muli %parallel_loop3A_251, %parallel_loop3A_254 : i32
        %parallel_loop3A_256 = arith.addi %parallel_loop3A_253, %parallel_loop3A_255 : i32
        %parallel_loop3A_257 = arith.index_cast %parallel_loop3A_256 : i32 to index
        %parallel_loop3A_258 = tpu.vector_load %arg14[%parallel_loop3A_257] {strides = array<i32>} : memref<10240xi32, #tpu.memory_space<vmem>>, vector<16xi32>,
        %parallel_loop3A_259 = arith.index_cast %parallel_loop3A_256 : i32 to index
        %parallel_loop3A_260 = tpu.vector_load %arg15[%parallel_loop3A_259] {strides = array<i32>} : memref<10240xi32, #tpu.memory_space<vmem>>, vector<16xi32>,
        %parallel_loop3A_261 = arith.constant 14208 : i32
        %parallel_loop3A_262 = vector.broadcast %parallel_loop3A_261 : i32 to vector<16xi32>
        %parallel_loop3A_263 = arith.addi %parallel_loop3A_258, %parallel_loop3A_262 : vector<16xi32>
        %parallel_loop3A_264 = arith.constant 18304 : i32
        %parallel_loop3A_265 = vector.broadcast %parallel_loop3A_264 : i32 to vector<16xi32>
        %parallel_loop3A_266 = arith.addi %parallel_loop3A_260, %parallel_loop3A_265 : vector<16xi32>
        %parallel_loop3A_267 = arith.index_cast %parallel_loop3A_256 : i32 to index
        %parallel_loop3A_268 = tpu.vector_load %arg17[%parallel_loop3A_267] {strides = array<i32>} : memref<10240xf32, #tpu.memory_space<vmem>>, vector<16xf32>,
        %parallel_loop3A_269 = arith.constant 7 : i32
        %parallel_loop3A_270 = vector.broadcast %parallel_loop3A_269 : i32 to vector<16xi32>
        %parallel_loop3A_271 = arith.shrsi %parallel_loop3A_263, %parallel_loop3A_270 : vector<16xi32>
        %parallel_loop3A_272 = arith.constant 127 : i32
        %parallel_loop3A_273 = vector.broadcast %parallel_loop3A_272 : i32 to vector<16xi32>
        %parallel_loop3A_274 = arith.andi %parallel_loop3A_263, %parallel_loop3A_273 : vector<16xi32>
        tpu.vector_store_idx %arg13[%parallel_loop3A_271, %parallel_loop3A_274], %parallel_loop3A_268 {add = true} : memref<256x128xf32, #tpu.memory_space<vmem>>[vector<16xi32>, vector<16xi32>], vector<16xf32>,
        %parallel_loop3A_275 = arith.constant 7 : i32
        %parallel_loop3A_276 = vector.broadcast %parallel_loop3A_275 : i32 to vector<16xi32>
        %parallel_loop3A_277 = arith.shrsi %parallel_loop3A_266, %parallel_loop3A_276 : vector<16xi32>
        %parallel_loop3A_278 = arith.constant 127 : i32
        %parallel_loop3A_279 = vector.broadcast %parallel_loop3A_278 : i32 to vector<16xi32>
        %parallel_loop3A_280 = arith.andi %parallel_loop3A_266, %parallel_loop3A_279 : vector<16xi32>
        tpu.vector_store_idx %arg13[%parallel_loop3A_277, %parallel_loop3A_280], %parallel_loop3A_268 {add = true} : memref<256x128xf32, #tpu.memory_space<vmem>>[vector<16xi32>, vector<16xi32>], vector<16xf32>,
      } {sc.loop_unroll_factor = 1 : i64, sc.parallel_access}
      %add3A_191 = arith.constant 1 : i32
      %add3A_192 = arith.addi %mul3A_173, %add3A_191 : i32
      %add3A_193 = arith.constant 3 : i32
      %add3A_194 = arith.addi %add3A_192, %add3A_193 : i32
      %lt3A_195 = arith.constant 16 : i32
      %lt3A_196 = arith.cmpi slt, %add3A_194, %lt3A_195 : i32
      %convert_element_type3A_197 = arith.extui %lt3A_196 : i1 to i32
      %cond3A_198 = arith.constant 0 : i32
      %cond3A_199 = arith.cmpi ne, %convert_element_type3A_197, %cond3A_198 : i32
      scf.if %cond3A_199 {
        %add3A_251 = arith.constant 3 : i32
        %add3A_252 = arith.addi %add3A_192, %add3A_251 : i32
        %mul3A_253 = arith.constant 128 : i32
        %mul3A_254 = arith.muli %add3A_252, %mul3A_253 : i32
        %mul3A_255 = arith.constant 128 : i32
        %mul3A_256 = arith.muli %add3A_252, %mul3A_255 : i32
        %dma_start3A_257 = tpu.memref_slice %arg17[%mul3A_256] : memref<10240xf32, #tpu.memory_space<vmem>> -> memref<128xf32, #tpu.memory_space<vmem>>
        %dma_start3A_258 = tpu.memref_slice %arg16[%mul3A_254] : memref<10240xi32, #tpu.memory_space<vmem>> -> memref<128xi32, #tpu.memory_space<vmem>>
        %dma_start3A_259 = arith.constant 0 : i32
        %dma_start3A_260 = tpu.memref_slice %arg19[%dma_start3A_259] : memref<400008xf32, #tpu.memory_space<vmem_shared>> -> memref<400008xf32, #tpu.memory_space<vmem_shared>>
        tpu.enqueue_indirect_dma source(%dma_start3A_260 : memref<400008xf32, #tpu.memory_space<vmem_shared>>) target(%dma_start3A_257 : memref<128xf32, #tpu.memory_space<vmem>>) offsets(%dma_start3A_258 : memref<128xi32, #tpu.memory_space<vmem>>) semaphore(%arg21 : memref<!tpu.dma_semaphore, #tpu.memory_space<semaphore_mem>>)
      } else {
      }
      %mul3A_200 = arith.constant 128 : i32
      %mul3A_201 = arith.muli %add3A_192, %mul3A_200 : i32
      %dma_wait3A_202 = tpu.memref_slice %arg17[%mul3A_201] : memref<10240xf32, #tpu.memory_space<vmem>> -> memref<128xf32, #tpu.memory_space<vmem>>
      %dma_wait3A_203 = arith.constant 0 : i32
      %dma_wait3A_204 = tpu.memref_slice %arg8[%dma_wait3A_203] : memref<400008xf32, #tpu.memory_space<hbm>> -> memref<128xf32, #tpu.memory_space<hbm>>
      %dma_wait3A_205 = tpu.memref_slice %arg17[%mul3A_201] : memref<10240xf32, #tpu.memory_space<vmem>> -> memref<128xf32, #tpu.memory_space<vmem>>
      %dma_wait3A_206 = arith.constant 0 : i32
      %dma_wait3A_207 = tpu.memref_slice %arg8[%dma_wait3A_206] : memref<400008xf32, #tpu.memory_space<hbm>> -> memref<128xf32, #tpu.memory_space<hbm>>
      tpu.wait_dma2 semaphore(%arg22 : memref<!tpu.dma_semaphore, #tpu.memory_space<semaphore_mem>>) src(%dma_wait3A_207 : memref<128xf32, #tpu.memory_space<hbm>>) dst(%dma_wait3A_205 : memref<128xf32, #tpu.memory_space<vmem>>)
      %parallel_loop3A_208 = arith.constant 0 : i32
      %parallel_loop3A_209 = arith.constant 8 : i32
      %parallel_loop3A_210 = arith.constant 1 : i32
      scf.for %parallel_loop3A_251 = %parallel_loop3A_208 to %parallel_loop3A_209 step %parallel_loop3A_210  : i32 {
        %parallel_loop3A_252 = arith.constant 128 : i32
        %parallel_loop3A_253 = arith.muli %add3A_192, %parallel_loop3A_252 : i32
        %parallel_loop3A_254 = arith.constant 16 : i32
        %parallel_loop3A_255 = arith.muli %parallel_loop3A_251, %parallel_loop3A_254 : i32
        %parallel_loop3A_256 = arith.addi %parallel_loop3A_253, %parallel_loop3A_255 : i32
        %parallel_loop3A_257 = arith.index_cast %parallel_loop3A_256 : i32 to index
        %parallel_loop3A_258 = tpu.vector_load %arg14[%parallel_loop3A_257] {strides = array<i32>} : memref<10240xi32, #tpu.memory_space<vmem>>, vector<16xi32>,
        %parallel_loop3A_259 = arith.index_cast %parallel_loop3A_256 : i32 to index
        %parallel_loop3A_260 = tpu.vector_load %arg15[%parallel_loop3A_259] {strides = array<i32>} : memref<10240xi32, #tpu.memory_space<vmem>>, vector<16xi32>,
        %parallel_loop3A_261 = arith.constant 14208 : i32
        %parallel_loop3A_262 = vector.broadcast %parallel_loop3A_261 : i32 to vector<16xi32>
        %parallel_loop3A_263 = arith.addi %parallel_loop3A_258, %parallel_loop3A_262 : vector<16xi32>
        %parallel_loop3A_264 = arith.constant 18304 : i32
        %parallel_loop3A_265 = vector.broadcast %parallel_loop3A_264 : i32 to vector<16xi32>
        %parallel_loop3A_266 = arith.addi %parallel_loop3A_260, %parallel_loop3A_265 : vector<16xi32>
        %parallel_loop3A_267 = arith.index_cast %parallel_loop3A_256 : i32 to index
        %parallel_loop3A_268 = tpu.vector_load %arg17[%parallel_loop3A_267] {strides = array<i32>} : memref<10240xf32, #tpu.memory_space<vmem>>, vector<16xf32>,
        %parallel_loop3A_269 = arith.constant 7 : i32
        %parallel_loop3A_270 = vector.broadcast %parallel_loop3A_269 : i32 to vector<16xi32>
        %parallel_loop3A_271 = arith.shrsi %parallel_loop3A_263, %parallel_loop3A_270 : vector<16xi32>
        %parallel_loop3A_272 = arith.constant 127 : i32
        %parallel_loop3A_273 = vector.broadcast %parallel_loop3A_272 : i32 to vector<16xi32>
        %parallel_loop3A_274 = arith.andi %parallel_loop3A_263, %parallel_loop3A_273 : vector<16xi32>
        tpu.vector_store_idx %arg13[%parallel_loop3A_271, %parallel_loop3A_274], %parallel_loop3A_268 {add = true} : memref<256x128xf32, #tpu.memory_space<vmem>>[vector<16xi32>, vector<16xi32>], vector<16xf32>,
        %parallel_loop3A_275 = arith.constant 7 : i32
        %parallel_loop3A_276 = vector.broadcast %parallel_loop3A_275 : i32 to vector<16xi32>
        %parallel_loop3A_277 = arith.shrsi %parallel_loop3A_266, %parallel_loop3A_276 : vector<16xi32>
        %parallel_loop3A_278 = arith.constant 127 : i32
        %parallel_loop3A_279 = vector.broadcast %parallel_loop3A_278 : i32 to vector<16xi32>
        %parallel_loop3A_280 = arith.andi %parallel_loop3A_266, %parallel_loop3A_279 : vector<16xi32>
        tpu.vector_store_idx %arg13[%parallel_loop3A_277, %parallel_loop3A_280], %parallel_loop3A_268 {add = true} : memref<256x128xf32, #tpu.memory_space<vmem>>[vector<16xi32>, vector<16xi32>], vector<16xf32>,
      } {sc.loop_unroll_factor = 1 : i64, sc.parallel_access}
      %add3A_211 = arith.constant 2 : i32
      %add3A_212 = arith.addi %mul3A_173, %add3A_211 : i32
      %add3A_213 = arith.constant 3 : i32
      %add3A_214 = arith.addi %add3A_212, %add3A_213 : i32
      %lt3A_215 = arith.constant 16 : i32
      %lt3A_216 = arith.cmpi slt, %add3A_214, %lt3A_215 : i32
      %convert_element_type3A_217 = arith.extui %lt3A_216 : i1 to i32
      %cond3A_218 = arith.constant 0 : i32
      %cond3A_219 = arith.cmpi ne, %convert_element_type3A_217, %cond3A_218 : i32
      scf.if %cond3A_219 {
        %add3A_251 = arith.constant 3 : i32
        %add3A_252 = arith.addi %add3A_212, %add3A_251 : i32
        %mul3A_253 = arith.constant 128 : i32
        %mul3A_254 = arith.muli %add3A_252, %mul3A_253 : i32
        %mul3A_255 = arith.constant 128 : i32
        %mul3A_256 = arith.muli %add3A_252, %mul3A_255 : i32
        %dma_start3A_257 = tpu.memref_slice %arg17[%mul3A_256] : memref<10240xf32, #tpu.memory_space<vmem>> -> memref<128xf32, #tpu.memory_space<vmem>>
        %dma_start3A_258 = tpu.memref_slice %arg16[%mul3A_254] : memref<10240xi32, #tpu.memory_space<vmem>> -> memref<128xi32, #tpu.memory_space<vmem>>
        %dma_start3A_259 = arith.constant 0 : i32
        %dma_start3A_260 = tpu.memref_slice %arg19[%dma_start3A_259] : memref<400008xf32, #tpu.memory_space<vmem_shared>> -> memref<400008xf32, #tpu.memory_space<vmem_shared>>
        tpu.enqueue_indirect_dma source(%dma_start3A_260 : memref<400008xf32, #tpu.memory_space<vmem_shared>>) target(%dma_start3A_257 : memref<128xf32, #tpu.memory_space<vmem>>) offsets(%dma_start3A_258 : memref<128xi32, #tpu.memory_space<vmem>>) semaphore(%arg22 : memref<!tpu.dma_semaphore, #tpu.memory_space<semaphore_mem>>)
      } else {
      }
      %mul3A_220 = arith.constant 128 : i32
      %mul3A_221 = arith.muli %add3A_212, %mul3A_220 : i32
      %dma_wait3A_222 = tpu.memref_slice %arg17[%mul3A_221] : memref<10240xf32, #tpu.memory_space<vmem>> -> memref<128xf32, #tpu.memory_space<vmem>>
      %dma_wait3A_223 = arith.constant 0 : i32
      %dma_wait3A_224 = tpu.memref_slice %arg8[%dma_wait3A_223] : memref<400008xf32, #tpu.memory_space<hbm>> -> memref<128xf32, #tpu.memory_space<hbm>>
      %dma_wait3A_225 = tpu.memref_slice %arg17[%mul3A_221] : memref<10240xf32, #tpu.memory_space<vmem>> -> memref<128xf32, #tpu.memory_space<vmem>>
      %dma_wait3A_226 = arith.constant 0 : i32
      %dma_wait3A_227 = tpu.memref_slice %arg8[%dma_wait3A_226] : memref<400008xf32, #tpu.memory_space<hbm>> -> memref<128xf32, #tpu.memory_space<hbm>>
      tpu.wait_dma2 semaphore(%arg23 : memref<!tpu.dma_semaphore, #tpu.memory_space<semaphore_mem>>) src(%dma_wait3A_227 : memref<128xf32, #tpu.memory_space<hbm>>) dst(%dma_wait3A_225 : memref<128xf32, #tpu.memory_space<vmem>>)
      %parallel_loop3A_228 = arith.constant 0 : i32
      %parallel_loop3A_229 = arith.constant 8 : i32
      %parallel_loop3A_230 = arith.constant 1 : i32
      scf.for %parallel_loop3A_251 = %parallel_loop3A_228 to %parallel_loop3A_229 step %parallel_loop3A_230  : i32 {
        %parallel_loop3A_252 = arith.constant 128 : i32
        %parallel_loop3A_253 = arith.muli %add3A_212, %parallel_loop3A_252 : i32
        %parallel_loop3A_254 = arith.constant 16 : i32
        %parallel_loop3A_255 = arith.muli %parallel_loop3A_251, %parallel_loop3A_254 : i32
        %parallel_loop3A_256 = arith.addi %parallel_loop3A_253, %parallel_loop3A_255 : i32
        %parallel_loop3A_257 = arith.index_cast %parallel_loop3A_256 : i32 to index
        %parallel_loop3A_258 = tpu.vector_load %arg14[%parallel_loop3A_257] {strides = array<i32>} : memref<10240xi32, #tpu.memory_space<vmem>>, vector<16xi32>,
        %parallel_loop3A_259 = arith.index_cast %parallel_loop3A_256 : i32 to index
        %parallel_loop3A_260 = tpu.vector_load %arg15[%parallel_loop3A_259] {strides = array<i32>} : memref<10240xi32, #tpu.memory_space<vmem>>, vector<16xi32>,
        %parallel_loop3A_261 = arith.constant 14208 : i32
        %parallel_loop3A_262 = vector.broadcast %parallel_loop3A_261 : i32 to vector<16xi32>
        %parallel_loop3A_263 = arith.addi %parallel_loop3A_258, %parallel_loop3A_262 : vector<16xi32>
        %parallel_loop3A_264 = arith.constant 18304 : i32
        %parallel_loop3A_265 = vector.broadcast %parallel_loop3A_264 : i32 to vector<16xi32>
        %parallel_loop3A_266 = arith.addi %parallel_loop3A_260, %parallel_loop3A_265 : vector<16xi32>
        %parallel_loop3A_267 = arith.index_cast %parallel_loop3A_256 : i32 to index
        %parallel_loop3A_268 = tpu.vector_load %arg17[%parallel_loop3A_267] {strides = array<i32>} : memref<10240xf32, #tpu.memory_space<vmem>>, vector<16xf32>,
        %parallel_loop3A_269 = arith.constant 7 : i32
        %parallel_loop3A_270 = vector.broadcast %parallel_loop3A_269 : i32 to vector<16xi32>
        %parallel_loop3A_271 = arith.shrsi %parallel_loop3A_263, %parallel_loop3A_270 : vector<16xi32>
        %parallel_loop3A_272 = arith.constant 127 : i32
        %parallel_loop3A_273 = vector.broadcast %parallel_loop3A_272 : i32 to vector<16xi32>
        %parallel_loop3A_274 = arith.andi %parallel_loop3A_263, %parallel_loop3A_273 : vector<16xi32>
        tpu.vector_store_idx %arg13[%parallel_loop3A_271, %parallel_loop3A_274], %parallel_loop3A_268 {add = true} : memref<256x128xf32, #tpu.memory_space<vmem>>[vector<16xi32>, vector<16xi32>], vector<16xf32>,
        %parallel_loop3A_275 = arith.constant 7 : i32
        %parallel_loop3A_276 = vector.broadcast %parallel_loop3A_275 : i32 to vector<16xi32>
        %parallel_loop3A_277 = arith.shrsi %parallel_loop3A_266, %parallel_loop3A_276 : vector<16xi32>
        %parallel_loop3A_278 = arith.constant 127 : i32
        %parallel_loop3A_279 = vector.broadcast %parallel_loop3A_278 : i32 to vector<16xi32>
        %parallel_loop3A_280 = arith.andi %parallel_loop3A_266, %parallel_loop3A_279 : vector<16xi32>
        tpu.vector_store_idx %arg13[%parallel_loop3A_277, %parallel_loop3A_280], %parallel_loop3A_268 {add = true} : memref<256x128xf32, #tpu.memory_space<vmem>>[vector<16xi32>, vector<16xi32>], vector<16xf32>,
      } {sc.loop_unroll_factor = 1 : i64, sc.parallel_access}
      %add3A_231 = arith.constant 3 : i32
      %add3A_232 = arith.addi %mul3A_173, %add3A_231 : i32
      %add3A_233 = arith.constant 3 : i32
      %add3A_234 = arith.addi %add3A_232, %add3A_233 : i32
      %lt3A_235 = arith.constant 16 : i32
      %lt3A_236 = arith.cmpi slt, %add3A_234, %lt3A_235 : i32
      %convert_element_type3A_237 = arith.extui %lt3A_236 : i1 to i32
      %cond3A_238 = arith.constant 0 : i32
      %cond3A_239 = arith.cmpi ne, %convert_element_type3A_237, %cond3A_238 : i32
      scf.if %cond3A_239 {
        %add3A_251 = arith.constant 3 : i32
        %add3A_252 = arith.addi %add3A_232, %add3A_251 : i32
        %mul3A_253 = arith.constant 128 : i32
        %mul3A_254 = arith.muli %add3A_252, %mul3A_253 : i32
        %mul3A_255 = arith.constant 128 : i32
        %mul3A_256 = arith.muli %add3A_252, %mul3A_255 : i32
        %dma_start3A_257 = tpu.memref_slice %arg17[%mul3A_256] : memref<10240xf32, #tpu.memory_space<vmem>> -> memref<128xf32, #tpu.memory_space<vmem>>
        %dma_start3A_258 = tpu.memref_slice %arg16[%mul3A_254] : memref<10240xi32, #tpu.memory_space<vmem>> -> memref<128xi32, #tpu.memory_space<vmem>>
        %dma_start3A_259 = arith.constant 0 : i32
        %dma_start3A_260 = tpu.memref_slice %arg19[%dma_start3A_259] : memref<400008xf32, #tpu.memory_space<vmem_shared>> -> memref<400008xf32, #tpu.memory_space<vmem_shared>>
        tpu.enqueue_indirect_dma source(%dma_start3A_260 : memref<400008xf32, #tpu.memory_space<vmem_shared>>) target(%dma_start3A_257 : memref<128xf32, #tpu.memory_space<vmem>>) offsets(%dma_start3A_258 : memref<128xi32, #tpu.memory_space<vmem>>) semaphore(%arg23 : memref<!tpu.dma_semaphore, #tpu.memory_space<semaphore_mem>>)
      } else {
      }
      %mul3A_240 = arith.constant 128 : i32
      %mul3A_241 = arith.muli %add3A_232, %mul3A_240 : i32
      %dma_wait3A_242 = tpu.memref_slice %arg17[%mul3A_241] : memref<10240xf32, #tpu.memory_space<vmem>> -> memref<128xf32, #tpu.memory_space<vmem>>
      %dma_wait3A_243 = arith.constant 0 : i32
      %dma_wait3A_244 = tpu.memref_slice %arg8[%dma_wait3A_243] : memref<400008xf32, #tpu.memory_space<hbm>> -> memref<128xf32, #tpu.memory_space<hbm>>
      %dma_wait3A_245 = tpu.memref_slice %arg17[%mul3A_241] : memref<10240xf32, #tpu.memory_space<vmem>> -> memref<128xf32, #tpu.memory_space<vmem>>
      %dma_wait3A_246 = arith.constant 0 : i32
      %dma_wait3A_247 = tpu.memref_slice %arg8[%dma_wait3A_246] : memref<400008xf32, #tpu.memory_space<hbm>> -> memref<128xf32, #tpu.memory_space<hbm>>
      tpu.wait_dma2 semaphore(%arg24 : memref<!tpu.dma_semaphore, #tpu.memory_space<semaphore_mem>>) src(%dma_wait3A_247 : memref<128xf32, #tpu.memory_space<hbm>>) dst(%dma_wait3A_245 : memref<128xf32, #tpu.memory_space<vmem>>)
      %parallel_loop3A_248 = arith.constant 0 : i32
      %parallel_loop3A_249 = arith.constant 8 : i32
      %parallel_loop3A_250 = arith.constant 1 : i32
      scf.for %parallel_loop3A_251 = %parallel_loop3A_248 to %parallel_loop3A_249 step %parallel_loop3A_250  : i32 {
        %parallel_loop3A_252 = arith.constant 128 : i32
        %parallel_loop3A_253 = arith.muli %add3A_232, %parallel_loop3A_252 : i32
        %parallel_loop3A_254 = arith.constant 16 : i32
        %parallel_loop3A_255 = arith.muli %parallel_loop3A_251, %parallel_loop3A_254 : i32
        %parallel_loop3A_256 = arith.addi %parallel_loop3A_253, %parallel_loop3A_255 : i32
        %parallel_loop3A_257 = arith.index_cast %parallel_loop3A_256 : i32 to index
        %parallel_loop3A_258 = tpu.vector_load %arg14[%parallel_loop3A_257] {strides = array<i32>} : memref<10240xi32, #tpu.memory_space<vmem>>, vector<16xi32>,
        %parallel_loop3A_259 = arith.index_cast %parallel_loop3A_256 : i32 to index
        %parallel_loop3A_260 = tpu.vector_load %arg15[%parallel_loop3A_259] {strides = array<i32>} : memref<10240xi32, #tpu.memory_space<vmem>>, vector<16xi32>,
        %parallel_loop3A_261 = arith.constant 14208 : i32
        %parallel_loop3A_262 = vector.broadcast %parallel_loop3A_261 : i32 to vector<16xi32>
        %parallel_loop3A_263 = arith.addi %parallel_loop3A_258, %parallel_loop3A_262 : vector<16xi32>
        %parallel_loop3A_264 = arith.constant 18304 : i32
        %parallel_loop3A_265 = vector.broadcast %parallel_loop3A_264 : i32 to vector<16xi32>
        %parallel_loop3A_266 = arith.addi %parallel_loop3A_260, %parallel_loop3A_265 : vector<16xi32>
        %parallel_loop3A_267 = arith.index_cast %parallel_loop3A_256 : i32 to index
        %parallel_loop3A_268 = tpu.vector_load %arg17[%parallel_loop3A_267] {strides = array<i32>} : memref<10240xf32, #tpu.memory_space<vmem>>, vector<16xf32>,
        %parallel_loop3A_269 = arith.constant 7 : i32
        %parallel_loop3A_270 = vector.broadcast %parallel_loop3A_269 : i32 to vector<16xi32>
        %parallel_loop3A_271 = arith.shrsi %parallel_loop3A_263, %parallel_loop3A_270 : vector<16xi32>
        %parallel_loop3A_272 = arith.constant 127 : i32
        %parallel_loop3A_273 = vector.broadcast %parallel_loop3A_272 : i32 to vector<16xi32>
        %parallel_loop3A_274 = arith.andi %parallel_loop3A_263, %parallel_loop3A_273 : vector<16xi32>
        tpu.vector_store_idx %arg13[%parallel_loop3A_271, %parallel_loop3A_274], %parallel_loop3A_268 {add = true} : memref<256x128xf32, #tpu.memory_space<vmem>>[vector<16xi32>, vector<16xi32>], vector<16xf32>,
        %parallel_loop3A_275 = arith.constant 7 : i32
        %parallel_loop3A_276 = vector.broadcast %parallel_loop3A_275 : i32 to vector<16xi32>
        %parallel_loop3A_277 = arith.shrsi %parallel_loop3A_266, %parallel_loop3A_276 : vector<16xi32>
        %parallel_loop3A_278 = arith.constant 127 : i32
        %parallel_loop3A_279 = vector.broadcast %parallel_loop3A_278 : i32 to vector<16xi32>
        %parallel_loop3A_280 = arith.andi %parallel_loop3A_266, %parallel_loop3A_279 : vector<16xi32>
        tpu.vector_store_idx %arg13[%parallel_loop3A_277, %parallel_loop3A_280], %parallel_loop3A_268 {add = true} : memref<256x128xf32, #tpu.memory_space<vmem>>[vector<16xi32>, vector<16xi32>], vector<16xf32>,
      } {sc.loop_unroll_factor = 1 : i64, sc.parallel_access}
    }
    %scan3A_52 = arith.constant 4 : i32
    "tpu.region"() ({
      %run_scoped3A_171 = tpu.sem_alloc : memref<!tpu.dma_semaphore, #tpu.memory_space<semaphore_mem>>
      %dma_start3A_172 = arith.constant 0 : i32
      %dma_start3A_173 = tpu.memref_slice %arg17[%dma_start3A_172] : memref<10240xf32, #tpu.memory_space<vmem>> -> memref<2048xf32, #tpu.memory_space<vmem>>
      %dma_start3A_174 = tpu.memref_slice %arg11[%mul3A_28] : memref<65536xf32, #tpu.memory_space<hbm>> -> memref<2048xf32, #tpu.memory_space<hbm>>
      %dma_start3A_175 = tpu.memref_slice %arg11[%mul3A_28] : memref<65536xf32, #tpu.memory_space<hbm>> -> memref<2048xf32, #tpu.memory_space<hbm>>
      %dma_start3A_176 = arith.constant 0 : i32
      %dma_start3A_177 = tpu.memref_slice %arg17[%dma_start3A_176] : memref<10240xf32, #tpu.memory_space<vmem>> -> memref<2048xf32, #tpu.memory_space<vmem>>
      tpu.enqueue_dma source(%dma_start3A_177 : memref<2048xf32, #tpu.memory_space<vmem>>) target(%dma_start3A_175 : memref<2048xf32, #tpu.memory_space<hbm>>) target_semaphore(%run_scoped3A_171 : memref<!tpu.dma_semaphore, #tpu.memory_space<semaphore_mem>>)
      %dma_wait3A = arith.constant 0 : i32
      %dma_wait3A_178 = tpu.memref_slice %arg17[%dma_wait3A] : memref<10240xf32, #tpu.memory_space<vmem>> -> memref<2048xf32, #tpu.memory_space<vmem>>
      %dma_wait3A_179 = tpu.memref_slice %arg11[%mul3A_28] : memref<65536xf32, #tpu.memory_space<hbm>> -> memref<2048xf32, #tpu.memory_space<hbm>>
      %dma_wait3A_180 = tpu.memref_slice %arg11[%mul3A_28] : memref<65536xf32, #tpu.memory_space<hbm>> -> memref<2048xf32, #tpu.memory_space<hbm>>
      %dma_wait3A_181 = arith.constant 0 : i32
      %dma_wait3A_182 = tpu.memref_slice %arg17[%dma_wait3A_181] : memref<10240xf32, #tpu.memory_space<vmem>> -> memref<2048xf32, #tpu.memory_space<vmem>>
      tpu.wait_dma2 semaphore(%run_scoped3A_171 : memref<!tpu.dma_semaphore, #tpu.memory_space<semaphore_mem>>) src(%dma_wait3A_182 : memref<2048xf32, #tpu.memory_space<vmem>>) dst(%dma_wait3A_180 : memref<2048xf32, #tpu.memory_space<hbm>>)
      tpu.yield
    }) : () -> ()
    %iota3A = tpu.iota {dimensions = array<i32: 0>} : vector<16xi32>
    %add3A_53 = arith.constant 0 : i32
    %add3A_54 = vector.broadcast %add3A_53 : i32 to vector<16xi32>
    %add3A_55 = arith.addi %iota3A, %add3A_54 : vector<16xi32>
    %swap3A = arith.constant 0 : i32
    %swap3A_56 = arith.index_cast %swap3A : i32 to index
    %swap3A_57 = arith.constant 0 : index
    %swap3A_58 = tpu.vector_load %arg18[%swap3A_56, %swap3A_57] {strides = array<i32>} : memref<1x128xi32, #tpu.memory_space<vmem>>, vector<16xi32>,
    tpu.vector_store %arg18[%swap3A_56, %swap3A_57], %add3A_55 {strides = array<i32>} : memref<1x128xi32, #tpu.memory_space<vmem>>, vector<16xi32>,
    %add3A_59 = arith.constant 16 : i32
    %add3A_60 = vector.broadcast %add3A_59 : i32 to vector<16xi32>
    %add3A_61 = arith.addi %iota3A, %add3A_60 : vector<16xi32>
    %swap3A_62 = arith.constant 0 : i32
    %swap3A_63 = arith.index_cast %swap3A_62 : i32 to index
    %swap3A_64 = arith.constant 16 : index
    %swap3A_65 = tpu.vector_load %arg18[%swap3A_63, %swap3A_64] {strides = array<i32>} : memref<1x128xi32, #tpu.memory_space<vmem>>, vector<16xi32>,
    tpu.vector_store %arg18[%swap3A_63, %swap3A_64], %add3A_61 {strides = array<i32>} : memref<1x128xi32, #tpu.memory_space<vmem>>, vector<16xi32>,
    %add3A_66 = arith.constant 32 : i32
    %add3A_67 = vector.broadcast %add3A_66 : i32 to vector<16xi32>
    %add3A_68 = arith.addi %iota3A, %add3A_67 : vector<16xi32>
    %swap3A_69 = arith.constant 0 : i32
    %swap3A_70 = arith.index_cast %swap3A_69 : i32 to index
    %swap3A_71 = arith.constant 32 : index
    %swap3A_72 = tpu.vector_load %arg18[%swap3A_70, %swap3A_71] {strides = array<i32>} : memref<1x128xi32, #tpu.memory_space<vmem>>, vector<16xi32>,
    tpu.vector_store %arg18[%swap3A_70, %swap3A_71], %add3A_68 {strides = array<i32>} : memref<1x128xi32, #tpu.memory_space<vmem>>, vector<16xi32>,
    %add3A_73 = arith.constant 48 : i32
    %add3A_74 = vector.broadcast %add3A_73 : i32 to vector<16xi32>
    %add3A_75 = arith.addi %iota3A, %add3A_74 : vector<16xi32>
    %swap3A_76 = arith.constant 0 : i32
    %swap3A_77 = arith.index_cast %swap3A_76 : i32 to index
    %swap3A_78 = arith.constant 48 : index
    %swap3A_79 = tpu.vector_load %arg18[%swap3A_77, %swap3A_78] {strides = array<i32>} : memref<1x128xi32, #tpu.memory_space<vmem>>, vector<16xi32>,
    tpu.vector_store %arg18[%swap3A_77, %swap3A_78], %add3A_75 {strides = array<i32>} : memref<1x128xi32, #tpu.memory_space<vmem>>, vector<16xi32>,
    %add3A_80 = arith.constant 64 : i32
    %add3A_81 = vector.broadcast %add3A_80 : i32 to vector<16xi32>
    %add3A_82 = arith.addi %iota3A, %add3A_81 : vector<16xi32>
    %swap3A_83 = arith.constant 0 : i32
    %swap3A_84 = arith.index_cast %swap3A_83 : i32 to index
    %swap3A_85 = arith.constant 64 : index
    %swap3A_86 = tpu.vector_load %arg18[%swap3A_84, %swap3A_85] {strides = array<i32>} : memref<1x128xi32, #tpu.memory_space<vmem>>, vector<16xi32>,
    tpu.vector_store %arg18[%swap3A_84, %swap3A_85], %add3A_82 {strides = array<i32>} : memref<1x128xi32, #tpu.memory_space<vmem>>, vector<16xi32>,
    %add3A_87 = arith.constant 80 : i32
    %add3A_88 = vector.broadcast %add3A_87 : i32 to vector<16xi32>
    %add3A_89 = arith.addi %iota3A, %add3A_88 : vector<16xi32>
    %swap3A_90 = arith.constant 0 : i32
    %swap3A_91 = arith.index_cast %swap3A_90 : i32 to index
    %swap3A_92 = arith.constant 80 : index
    %swap3A_93 = tpu.vector_load %arg18[%swap3A_91, %swap3A_92] {strides = array<i32>} : memref<1x128xi32, #tpu.memory_space<vmem>>, vector<16xi32>,
    tpu.vector_store %arg18[%swap3A_91, %swap3A_92], %add3A_89 {strides = array<i32>} : memref<1x128xi32, #tpu.memory_space<vmem>>, vector<16xi32>,
    %add3A_94 = arith.constant 96 : i32
    %add3A_95 = vector.broadcast %add3A_94 : i32 to vector<16xi32>
    %add3A_96 = arith.addi %iota3A, %add3A_95 : vector<16xi32>
    %swap3A_97 = arith.constant 0 : i32
    %swap3A_98 = arith.index_cast %swap3A_97 : i32 to index
    %swap3A_99 = arith.constant 96 : index
    %swap3A_100 = tpu.vector_load %arg18[%swap3A_98, %swap3A_99] {strides = array<i32>} : memref<1x128xi32, #tpu.memory_space<vmem>>, vector<16xi32>,
    tpu.vector_store %arg18[%swap3A_98, %swap3A_99], %add3A_96 {strides = array<i32>} : memref<1x128xi32, #tpu.memory_space<vmem>>, vector<16xi32>,
    %add3A_101 = arith.constant 112 : i32
    %add3A_102 = vector.broadcast %add3A_101 : i32 to vector<16xi32>
    %add3A_103 = arith.addi %iota3A, %add3A_102 : vector<16xi32>
    %swap3A_104 = arith.constant 0 : i32
    %swap3A_105 = arith.index_cast %swap3A_104 : i32 to index
    %swap3A_106 = arith.constant 112 : index
    %swap3A_107 = tpu.vector_load %arg18[%swap3A_105, %swap3A_106] {strides = array<i32>} : memref<1x128xi32, #tpu.memory_space<vmem>>, vector<16xi32>,
    tpu.vector_store %arg18[%swap3A_105, %swap3A_106], %add3A_103 {strides = array<i32>} : memref<1x128xi32, #tpu.memory_space<vmem>>, vector<16xi32>,
    %run_scoped3A = arith.constant 0 : i32
    "tpu.region"() ({
      %run_scoped3A_171 = tpu.sem_alloc : memref<!tpu.dma_semaphore, #tpu.memory_space<semaphore_mem>>
      %dma_start3A_172 = arith.constant 0 : i32
      %dma_start3A_173 = arith.constant 0 : i32
      %dma_start3A_174 = tpu.memref_slice %arg13[%dma_start3A_172, %dma_start3A_173] : memref<256x128xf32, #tpu.memory_space<vmem>> -> memref<128x128xf32, #tpu.memory_space<vmem>>
      %dma_start3A_175 = arith.constant 0 : i32
      %dma_start3A_176 = tpu.memref_slice %arg18[%run_scoped3A, %dma_start3A_175] : memref<1x128xi32, #tpu.memory_space<vmem>> -> memref<1x128xi32, #tpu.memory_space<vmem>>
      %dma_start3A_177 = tpu.memref_squeeze %dma_start3A_176 : memref<1x128xi32, #tpu.memory_space<vmem>> -> memref<128xi32, #tpu.memory_space<vmem>>
      %dma_start3A_178 = arith.constant 0 : i32
      %dma_start3A_179 = arith.constant 0 : i32
      %dma_start3A_180 = tpu.memref_slice %arg20[%dma_start3A_178, %dma_start3A_179] : memref<256x128xf32, #tpu.memory_space<vmem_shared>> -> memref<256x128xf32, #tpu.memory_space<vmem_shared>>
      tpu.enqueue_indirect_dma source(%dma_start3A_174 : memref<128x128xf32, #tpu.memory_space<vmem>>) target(%dma_start3A_180 : memref<256x128xf32, #tpu.memory_space<vmem_shared>>) offsets(%dma_start3A_177 : memref<128xi32, #tpu.memory_space<vmem>>) semaphore(%run_scoped3A_171 : memref<!tpu.dma_semaphore, #tpu.memory_space<semaphore_mem>>) {add = true}
      %dma_wait3A = arith.constant 0 : i32
      %dma_wait3A_181 = arith.constant 0 : i32
      %dma_wait3A_182 = tpu.memref_slice %arg13[%dma_wait3A, %dma_wait3A_181] : memref<256x128xf32, #tpu.memory_space<vmem>> -> memref<128x128xf32, #tpu.memory_space<vmem>>
      %dma_wait3A_183 = arith.constant 0 : i32
      %dma_wait3A_184 = tpu.memref_slice %arg18[%run_scoped3A, %dma_wait3A_183] : memref<1x128xi32, #tpu.memory_space<vmem>> -> memref<1x128xi32, #tpu.memory_space<vmem>>
      %dma_wait3A_185 = tpu.memref_squeeze %dma_wait3A_184 : memref<1x128xi32, #tpu.memory_space<vmem>> -> memref<128xi32, #tpu.memory_space<vmem>>
      %dma_wait3A_186 = arith.constant 0 : i32
      %dma_wait3A_187 = arith.constant 0 : i32
      %dma_wait3A_188 = tpu.memref_slice %arg20[%dma_wait3A_186, %dma_wait3A_187] : memref<256x128xf32, #tpu.memory_space<vmem_shared>> -> memref<256x128xf32, #tpu.memory_space<vmem_shared>>
      tpu.wait_indirect_dma semaphore(%run_scoped3A_171 : memref<!tpu.dma_semaphore, #tpu.memory_space<semaphore_mem>>) src(%dma_wait3A_182 : memref<128x128xf32, #tpu.memory_space<vmem>>) dst(%dma_wait3A_188 : memref<256x128xf32, #tpu.memory_space<vmem_shared>>)
      tpu.yield
    }) : () -> ()
    %add3A_108 = arith.constant 128 : i32
    %add3A_109 = vector.broadcast %add3A_108 : i32 to vector<16xi32>
    %add3A_110 = arith.addi %iota3A, %add3A_109 : vector<16xi32>
    %swap3A_111 = arith.constant 0 : i32
    %swap3A_112 = arith.index_cast %swap3A_111 : i32 to index
    %swap3A_113 = arith.constant 0 : index
    %swap3A_114 = tpu.vector_load %arg18[%swap3A_112, %swap3A_113] {strides = array<i32>} : memref<1x128xi32, #tpu.memory_space<vmem>>, vector<16xi32>,
    tpu.vector_store %arg18[%swap3A_112, %swap3A_113], %add3A_110 {strides = array<i32>} : memref<1x128xi32, #tpu.memory_space<vmem>>, vector<16xi32>,
    %add3A_115 = arith.constant 144 : i32
    %add3A_116 = vector.broadcast %add3A_115 : i32 to vector<16xi32>
    %add3A_117 = arith.addi %iota3A, %add3A_116 : vector<16xi32>
    %swap3A_118 = arith.constant 0 : i32
    %swap3A_119 = arith.index_cast %swap3A_118 : i32 to index
    %swap3A_120 = arith.constant 16 : index
    %swap3A_121 = tpu.vector_load %arg18[%swap3A_119, %swap3A_120] {strides = array<i32>} : memref<1x128xi32, #tpu.memory_space<vmem>>, vector<16xi32>,
    tpu.vector_store %arg18[%swap3A_119, %swap3A_120], %add3A_117 {strides = array<i32>} : memref<1x128xi32, #tpu.memory_space<vmem>>, vector<16xi32>,
    %add3A_122 = arith.constant 160 : i32
    %add3A_123 = vector.broadcast %add3A_122 : i32 to vector<16xi32>
    %add3A_124 = arith.addi %iota3A, %add3A_123 : vector<16xi32>
    %swap3A_125 = arith.constant 0 : i32
    %swap3A_126 = arith.index_cast %swap3A_125 : i32 to index
    %swap3A_127 = arith.constant 32 : index
    %swap3A_128 = tpu.vector_load %arg18[%swap3A_126, %swap3A_127] {strides = array<i32>} : memref<1x128xi32, #tpu.memory_space<vmem>>, vector<16xi32>,
    tpu.vector_store %arg18[%swap3A_126, %swap3A_127], %add3A_124 {strides = array<i32>} : memref<1x128xi32, #tpu.memory_space<vmem>>, vector<16xi32>,
    %add3A_129 = arith.constant 176 : i32
    %add3A_130 = vector.broadcast %add3A_129 : i32 to vector<16xi32>
    %add3A_131 = arith.addi %iota3A, %add3A_130 : vector<16xi32>
    %swap3A_132 = arith.constant 0 : i32
    %swap3A_133 = arith.index_cast %swap3A_132 : i32 to index
    %swap3A_134 = arith.constant 48 : index
    %swap3A_135 = tpu.vector_load %arg18[%swap3A_133, %swap3A_134] {strides = array<i32>} : memref<1x128xi32, #tpu.memory_space<vmem>>, vector<16xi32>,
    tpu.vector_store %arg18[%swap3A_133, %swap3A_134], %add3A_131 {strides = array<i32>} : memref<1x128xi32, #tpu.memory_space<vmem>>, vector<16xi32>,
    %add3A_136 = arith.constant 192 : i32
    %add3A_137 = vector.broadcast %add3A_136 : i32 to vector<16xi32>
    %add3A_138 = arith.addi %iota3A, %add3A_137 : vector<16xi32>
    %swap3A_139 = arith.constant 0 : i32
    %swap3A_140 = arith.index_cast %swap3A_139 : i32 to index
    %swap3A_141 = arith.constant 64 : index
    %swap3A_142 = tpu.vector_load %arg18[%swap3A_140, %swap3A_141] {strides = array<i32>} : memref<1x128xi32, #tpu.memory_space<vmem>>, vector<16xi32>,
    tpu.vector_store %arg18[%swap3A_140, %swap3A_141], %add3A_138 {strides = array<i32>} : memref<1x128xi32, #tpu.memory_space<vmem>>, vector<16xi32>,
    %add3A_143 = arith.constant 208 : i32
    %add3A_144 = vector.broadcast %add3A_143 : i32 to vector<16xi32>
    %add3A_145 = arith.addi %iota3A, %add3A_144 : vector<16xi32>
    %swap3A_146 = arith.constant 0 : i32
    %swap3A_147 = arith.index_cast %swap3A_146 : i32 to index
    %swap3A_148 = arith.constant 80 : index
    %swap3A_149 = tpu.vector_load %arg18[%swap3A_147, %swap3A_148] {strides = array<i32>} : memref<1x128xi32, #tpu.memory_space<vmem>>, vector<16xi32>,
    tpu.vector_store %arg18[%swap3A_147, %swap3A_148], %add3A_145 {strides = array<i32>} : memref<1x128xi32, #tpu.memory_space<vmem>>, vector<16xi32>,
    %add3A_150 = arith.constant 224 : i32
    %add3A_151 = vector.broadcast %add3A_150 : i32 to vector<16xi32>
    %add3A_152 = arith.addi %iota3A, %add3A_151 : vector<16xi32>
    %swap3A_153 = arith.constant 0 : i32
    %swap3A_154 = arith.index_cast %swap3A_153 : i32 to index
    %swap3A_155 = arith.constant 96 : index
    %swap3A_156 = tpu.vector_load %arg18[%swap3A_154, %swap3A_155] {strides = array<i32>} : memref<1x128xi32, #tpu.memory_space<vmem>>, vector<16xi32>,
    tpu.vector_store %arg18[%swap3A_154, %swap3A_155], %add3A_152 {strides = array<i32>} : memref<1x128xi32, #tpu.memory_space<vmem>>, vector<16xi32>,
    %add3A_157 = arith.constant 240 : i32
    %add3A_158 = vector.broadcast %add3A_157 : i32 to vector<16xi32>
    %add3A_159 = arith.addi %iota3A, %add3A_158 : vector<16xi32>
    %swap3A_160 = arith.constant 0 : i32
    %swap3A_161 = arith.index_cast %swap3A_160 : i32 to index
    %swap3A_162 = arith.constant 112 : index
    %swap3A_163 = tpu.vector_load %arg18[%swap3A_161, %swap3A_162] {strides = array<i32>} : memref<1x128xi32, #tpu.memory_space<vmem>>, vector<16xi32>,
    tpu.vector_store %arg18[%swap3A_161, %swap3A_162], %add3A_159 {strides = array<i32>} : memref<1x128xi32, #tpu.memory_space<vmem>>, vector<16xi32>,
    %run_scoped3A_164 = arith.constant 0 : i32
    "tpu.region"() ({
      %run_scoped3A_171 = tpu.sem_alloc : memref<!tpu.dma_semaphore, #tpu.memory_space<semaphore_mem>>
      %dma_start3A_172 = arith.constant 128 : i32
      %dma_start3A_173 = arith.constant 0 : i32
      %dma_start3A_174 = tpu.memref_slice %arg13[%dma_start3A_172, %dma_start3A_173] : memref<256x128xf32, #tpu.memory_space<vmem>> -> memref<128x128xf32, #tpu.memory_space<vmem>>
      %dma_start3A_175 = arith.constant 0 : i32
      %dma_start3A_176 = tpu.memref_slice %arg18[%run_scoped3A_164, %dma_start3A_175] : memref<1x128xi32, #tpu.memory_space<vmem>> -> memref<1x128xi32, #tpu.memory_space<vmem>>
      %dma_start3A_177 = tpu.memref_squeeze %dma_start3A_176 : memref<1x128xi32, #tpu.memory_space<vmem>> -> memref<128xi32, #tpu.memory_space<vmem>>
      %dma_start3A_178 = arith.constant 0 : i32
      %dma_start3A_179 = arith.constant 0 : i32
      %dma_start3A_180 = tpu.memref_slice %arg20[%dma_start3A_178, %dma_start3A_179] : memref<256x128xf32, #tpu.memory_space<vmem_shared>> -> memref<256x128xf32, #tpu.memory_space<vmem_shared>>
      tpu.enqueue_indirect_dma source(%dma_start3A_174 : memref<128x128xf32, #tpu.memory_space<vmem>>) target(%dma_start3A_180 : memref<256x128xf32, #tpu.memory_space<vmem_shared>>) offsets(%dma_start3A_177 : memref<128xi32, #tpu.memory_space<vmem>>) semaphore(%run_scoped3A_171 : memref<!tpu.dma_semaphore, #tpu.memory_space<semaphore_mem>>) {add = true}
      %dma_wait3A = arith.constant 128 : i32
      %dma_wait3A_181 = arith.constant 0 : i32
      %dma_wait3A_182 = tpu.memref_slice %arg13[%dma_wait3A, %dma_wait3A_181] : memref<256x128xf32, #tpu.memory_space<vmem>> -> memref<128x128xf32, #tpu.memory_space<vmem>>
      %dma_wait3A_183 = arith.constant 0 : i32
      %dma_wait3A_184 = tpu.memref_slice %arg18[%run_scoped3A_164, %dma_wait3A_183] : memref<1x128xi32, #tpu.memory_space<vmem>> -> memref<1x128xi32, #tpu.memory_space<vmem>>
      %dma_wait3A_185 = tpu.memref_squeeze %dma_wait3A_184 : memref<1x128xi32, #tpu.memory_space<vmem>> -> memref<128xi32, #tpu.memory_space<vmem>>
      %dma_wait3A_186 = arith.constant 0 : i32
      %dma_wait3A_187 = arith.constant 0 : i32
      %dma_wait3A_188 = tpu.memref_slice %arg20[%dma_wait3A_186, %dma_wait3A_187] : memref<256x128xf32, #tpu.memory_space<vmem_shared>> -> memref<256x128xf32, #tpu.memory_space<vmem_shared>>
      tpu.wait_indirect_dma semaphore(%run_scoped3A_171 : memref<!tpu.dma_semaphore, #tpu.memory_space<semaphore_mem>>) src(%dma_wait3A_182 : memref<128x128xf32, #tpu.memory_space<vmem>>) dst(%dma_wait3A_188 : memref<256x128xf32, #tpu.memory_space<vmem_shared>>)
      tpu.yield
    }) : () -> ()
    %barrier3A_165 = arith.constant 0 : index
    tpu.barrier barrier_id(%barrier3A_165)
    %eq3A_166 = arith.constant 0 : i32
    %eq3A_167 = arith.cmpi eq, %arg1, %eq3A_166 : i32
    %convert_element_type3A_168 = arith.extui %eq3A_167 : i1 to i32
    %cond3A_169 = arith.constant 0 : i32
    %cond3A_170 = arith.cmpi ne, %convert_element_type3A_168, %cond3A_169 : i32
    scf.if %cond3A_170 {
      "tpu.region"() ({
        %run_scoped3A_171 = tpu.sem_alloc : memref<!tpu.dma_semaphore, #tpu.memory_space<semaphore_mem>>
        %dma_start3A_172 = arith.constant 0 : i32
        %dma_start3A_173 = arith.constant 0 : i32
        %dma_start3A_174 = tpu.memref_slice %arg12[%arg0, %dma_start3A_172, %dma_start3A_173] : memref<2x256x128xf32, #tpu.memory_space<hbm>> -> memref<1x256x128xf32, #tpu.memory_space<hbm>>
        %dma_start3A_175 = tpu.memref_squeeze %dma_start3A_174 : memref<1x256x128xf32, #tpu.memory_space<hbm>> -> memref<256x128xf32, #tpu.memory_space<hbm>>
        tpu.enqueue_dma source(%arg20 : memref<256x128xf32, #tpu.memory_space<vmem_shared>>) target(%dma_start3A_175 : memref<256x128xf32, #tpu.memory_space<hbm>>) target_semaphore(%run_scoped3A_171 : memref<!tpu.dma_semaphore, #tpu.memory_space<semaphore_mem>>)
        %dma_wait3A = arith.constant 0 : i32
        %dma_wait3A_176 = arith.constant 0 : i32
        %dma_wait3A_177 = tpu.memref_slice %arg12[%arg0, %dma_wait3A, %dma_wait3A_176] : memref<2x256x128xf32, #tpu.memory_space<hbm>> -> memref<1x256x128xf32, #tpu.memory_space<hbm>>
        %dma_wait3A_178 = tpu.memref_squeeze %dma_wait3A_177 : memref<1x256x128xf32, #tpu.memory_space<hbm>> -> memref<256x128xf32, #tpu.memory_space<hbm>>
        tpu.wait_dma2 semaphore(%run_scoped3A_171 : memref<!tpu.dma_semaphore, #tpu.memory_space<semaphore_mem>>) src(%arg20 : memref<256x128xf32, #tpu.memory_space<vmem_shared>>) dst(%dma_wait3A_178 : memref<256x128xf32, #tpu.memory_space<hbm>>)
        tpu.yield
      }) : () -> ()
    } else {
    }
    return
  }
}

</mosaic_0001>

<sc_bundles>
// kernel: _deg_call.3.cloned.1.call-start
scs
__scs_entry_jumppad:
0x0: {  	(pc) =	sbr.rel $0x88, $3  }
0x1: {  	(tag) =	ssettag $0x0;
	lr =	simm.s32 $0x1  }
0x2: {  	[smem:$0x3F99] =	sst lr;
	_ =	strace $0xD0000000  }
0x3: {  	_ = 	snop  }
0x4: {  	_ = 	snop  }
0x5: {  	_ = 	snop  }
0x6: {  	_ = 	snop  }
0x7: {  	_ = 	snop  }
__scs_overlays_trampoline_lowered:
0x8: {  	[smem:$0x3FA8] =	sst s0  }
0x9: {  	[smem:$0x3FA9] =	sst s1  }
0xa: {  	[smem:$0x3FAA] =	sst s2  }
0xb: {  	[smem:$0x3FAB] =	sst s3  }
0xc: {  	[smem:$0x3FAC] =	sst s4  }
0xd: {  	[smem:$0x3FAD] =	sst s5  }
0xe: {  	[smem:$0x3FAE] =	sst s6  }
0xf: {  	[smem:$0x3FAF] =	sst s7  }
0x10: {  	[smem:$0x3FB0] =	sst s8  }
0x11: {  	[smem:$0x3FB1] =	sst s9;
	s0 =	simm.s32 @!p0 $0x0  }
0x12: {  	s1 =	sld [smem:$0x3F97];
	s0 =	simm.s32 @p0 $0x1  }
0x13: {  	[smem:$0x3FB2] =	sst s0;
	s0 =	simm.s32 @!p1 $0x0  }
0x14: {  	s2 =	sld [smem:$0x3F96];
	s0 =	simm.s32 @p1 $0x1  }
0x15: {  	[smem:$0x3FB3] =	sst s0;
	s0 =	simm.s32 @!p2 $0x0  }
0x16: {  	s3 =	sld [smem:$0x3FDB];
	s0 =	simm.s32 @p2 $0x1  }
0x17: {  	s4 =	simm.s32 $0x1BF5;
	[smem:$0x3FB5] =	sst s0  }
0x18: {  	s0 =	sld [smem:$0x3F98];
	_ =	swait.ge [sflag:s4], $0x0  }
0x19: {  	s7 =	sld [smem:$0x3F99]  }
0x1a: {  	s8 =	sadd.s32 $0xFFFFE003, lr  }
0x1b: {  	s9 =	sadd.s32 $0xFFFFFEF7, lr;
	s5 =	simm.s32 $0xFFFFFFFF;
	p2 =	slt.u32 s8, $0xFFFFF086  }
0x1c: {  	p1 =	slt.u32 s9, $0xF7A;
	s5 =	simm.s32 @!p2 $0x0  }
0x1d: {  	s5 =	simm.s32 @p1 $0x1;
	p0 =	seq.s32 s7, s2  }
0x1e: {  	s7 =	smul.u32 @!p0 $0xF7A, s2;
	p2 =	seq.s32 @!p0 s5, $0x0  }
0x1f: {  	s9 =	smul.u32 $0xF7A, s1;
	s8 =	simm.s32 @!p0 $0x1BF5;
	p2 =	por !p2, p0  }
0x20: {  	[sflag:s8] =	ssyncset.s32 @!p0 $0xFFFFF086;
	s6 =	sadd.s32 @!p0 s3, s7;
	s7 =	simm.s32 @!p0 $0x108  }
0x21: {  	s3 =	sadd.s32 s3, s9;
	s6 =	sadd.s32 @!p0 $0x88, s6;
	s7 =	simm.s32 @p2 $0x1082  }
0x22: {  	[simem:s7], [sflag:s8] =	dma.local @!p0 [hbm:s6], $0xF7A  }
0x23: {  	s9 =	sor.u32 $0xD0000000, s2;
	s6 =	simm.s32 $0x108;
	_ =	swait.ge @!p0 [sflag:s8], $0x0  }
0x24: {  	s3 =	sadd.s32 $0x88, s3;
	s6 =	simm.s32 @!p1 $0x1082;
	[sflag:s4] =	ssyncset.s32 $0xFFFFF086  }
0x25: {  	[simem:s6], [sflag:s4] =	dma.local [hbm:s3], $0xF7A  }
0x26: {  	[smem:$0x3F99] =	sst s1;
	(tag) =	ssettag s2;
	_ =	strace s9  }
0x27: {  	s1 =	sld [smem:$0x3FA9]  }
0x28: {  	s2 =	sld [smem:$0x3FAA]  }
0x29: {  	s4 =	sld [smem:$0x3FAC]  }
0x2a: {  	p0 =	seq.s32 s5, $0x0;
	s5 =	sld [smem:$0x3FAD]  }
0x2b: {  	s6 =	sld [smem:$0x3FAE]  }
0x2c: {  	s7 =	sld [smem:$0x3FAF]  }
0x2d: {  	s3 =	simm.s32 $0x108;
	s8 =	sld [smem:$0x3FB0]  }
0x2e: {  	s3 =	simm.s32 @!p0 $0x1082;
	s9 =	sld [smem:$0x3FB1]  }
0x2f: {  	lr =	sadd.s32 s0, s3;
	s0 =	sld [smem:$0x3FA8]  }
0x30: {  	s3 =	sld [smem:$0x3FAB]  }
0x31: {  	[smem:$0x3FB4] =	sst s10  }
0x32: {  	s10 =	sld [smem:$0x3FB2];
	_ =	sdelay $0x3  }
0x33: {  	p0 =	seq.s32 s10, $0x1;
	s10 =	sld [smem:$0x3FB4];
	_ =	sdelay $0x3  }
0x34: {  	[smem:$0x3FB4] =	sst s10  }
0x35: {  	s10 =	sld [smem:$0x3FB3];
	_ =	sdelay $0x3  }
0x36: {  	p1 =	seq.s32 s10, $0x1;
	s10 =	sld [smem:$0x3FB4];
	_ =	sdelay $0x3  }
0x37: {  	[smem:$0x3FB4] =	sst s10  }
0x38: {  	s10 =	sld [smem:$0x3FB5]  }
0x39: {  	_ = 	snop;
	(pc) =	sbr.ind lr, $3  }
0x3a: {  	_ = 	snop  }
0x3b: {  	_ = 	snop  }
0x3c: {  	p2 =	seq.s32 s10, $0x1;
	s10 =	sld [smem:$0x3FB4]  }
0x3d: {  	_ =	shalt  }
0x3e: {  	_ =	shalt  }
0x3f: {  	_ =	shalt  }
0x40: {  	_ =	shalt  }
0x41: {  	_ =	shalt  }
0x42: {  	_ =	shalt  }
0x43: {  	_ =	shalt  }
0x44: {  	_ =	shalt  }
0x45: {  	_ =	shalt  }
0x46: {  	_ =	shalt  }
0x47: {  	_ =	shalt  }
0x48: {  	_ =	shalt  }
0x49: {  	_ =	shalt  }
0x4a: {  	_ =	shalt  }
0x4b: {  	_ =	shalt  }
0x4c: {  	_ =	shalt  }
0x4d: {  	_ =	shalt  }
0x4e: {  	_ =	shalt  }
0x4f: {  	_ =	shalt  }
0x50: {  	_ =	shalt  }
0x51: {  	_ =	shalt  }
0x52: {  	_ =	shalt  }
0x53: {  	_ =	shalt  }
0x54: {  	_ =	shalt  }
0x55: {  	_ =	shalt  }
0x56: {  	_ =	shalt  }
0x57: {  	_ =	shalt  }
0x58: {  	_ =	shalt  }
0x59: {  	_ =	shalt  }
0x5a: {  	_ =	shalt  }
0x5b: {  	_ =	shalt  }
0x5c: {  	_ =	shalt  }
0x5d: {  	_ =	shalt  }
0x5e: {  	_ =	shalt  }
0x5f: {  	_ =	shalt  }
0x60: {  	_ =	shalt  }
0x61: {  	_ =	shalt  }
0x62: {  	_ =	shalt  }
0x63: {  	_ =	shalt  }
0x64: {  	_ =	shalt  }
0x65: {  	_ =	shalt  }
0x66: {  	_ =	shalt  }
0x67: {  	_ =	shalt  }
0x68: {  	_ =	shalt  }
0x69: {  	_ =	shalt  }
0x6a: {  	_ =	shalt  }
0x6b: {  	_ =	shalt  }
0x6c: {  	_ =	shalt  }
0x6d: {  	_ =	shalt  }
0x6e: {  	_ =	shalt  }
0x6f: {  	_ =	shalt  }
0x70: {  	_ =	shalt  }
0x71: {  	_ =	shalt  }
0x72: {  	_ =	shalt  }
0x73: {  	_ =	shalt  }
0x74: {  	_ =	shalt  }
0x75: {  	_ =	shalt  }
0x76: {  	_ =	shalt  }
0x77: {  	_ =	shalt  }
0x78: {  	_ =	shalt  }
0x79: {  	_ =	shalt  }
0x7a: {  	_ =	shalt  }
0x7b: {  	_ =	shalt  }
0x7c: {  	_ =	shalt  }
0x7d: {  	_ =	shalt  }
0x7e: {  	_ =	shalt  }
0x7f: {  	_ =	shalt  }
0x80: {  	_ =	shalt  }
0x81: {  	_ =	shalt  }
0x82: {  	_ =	shalt  }
0x83: {  	_ =	shalt  }
0x84: {  	_ =	shalt  }
0x85: {  	_ =	shalt  }
0x86: {  	_ =	shalt  }
0x87: {  	_ =	shalt  }
.Lfunc_end0:
.L_simem_size_0:
called_computation_lowered:
.L_overlay_start_0:
0x88: {  	s2 =	sld [smem:$0x3FD9]  }
0x89: {  	s3 =	sld [smem:$0x3FFE];
	_ =	sdelay $0x1  }
0x8a: {  	s1 =	srdreg.scid  }
0x8b: {  	s0 =	sand.u32 $0x1, s1  }
0x8c: {  	s30 =	sshll.u32 s0, $0xA;
	s2 =	sadd.s32 s3, s2  }
0x8d: {  	s2 =	sadd.s32 s2, s30  }
0x8e: {  	[smem:$0x3FC0] =	sst s2  }
0x8f: {  	_ = 	snop  }
0x90: {  	s2 =	sld [smem:$0x3FC9]  }
0x91: {  	s31 =	sld [smem:$0x3FC8]  }
0x92: {  	s4 =	sld [smem:$0x3FC7]  }
0x93: {  	s5 =	sld [smem:$0x3FC6]  }
0x94: {  	s6 =	sld [smem:$0x3FC5]  }
0x95: {  	s7 =	sld [smem:$0x3FD0]  }
0x96: {  	s8 =	sld [smem:$0x3FC4]  }
0x97: {  	s9 =	sld [smem:$0x3FC3]  }
0x98: {  	s11 =	simm.s32 $0xA;
	s12 =	simm.s32 $0x10;
	s10 =	sld [smem:$0x3FC2]  }
0x99: {  	[smem:s12], [sflag:s11] =	dma.local [hbm:s7], $0x1  }
0x9a: {  	_ =	swait.eq [sflag:s11], $0x1  }
0x9b: {  	s12 =	sld [smem:$0x10];
	[sflag:s11] =	ssyncset.done $0x0  }
0x9c: {  	s18 =	sld [smem:$0x11];
	[sflag:s11] =	ssyncadd.s32 $0xFFFFFFFF  }
0x9d: {  	s19 =	sld [smem:$0x12];
	(tm) =	ssettm $0x1  }
0x9e: {  	s13 =	sld [smem:$0x3FFB];
	_ =	sdelay $0x3  }
0x9f: {  	_ =	strace s13  }
0xa0: {  	s13 =	sld [smem:$0x3FFC];
	_ =	sdelay $0x3  }
0xa1: {  	_ =	strace s13  }
0xa2: {  	s13 =	sld [smem:$0x3FFD];
	_ =	sdelay $0x3  }
0xa3: {  	_ =	strace s13  }
0xa4: {  	_ =	strace $0x8FFFFFFF  }
0xa5: {  	s20 =	sld [smem:$0x3FDB];
	_ =	sdelay $0x1  }
0xa6: {  	s14 =	simm.s32 $_scs_section_size  }
0xa7: {  	s15 =	simm.s32 $_size__tile_overlayer_lowered;
	s16 =	simm.s32 $_tile_overlayer_lowered  }
0xa8: {  	s23 =	simm.s32 $0x1BFF;
	s22 =	sshll.u32 s16, $0x1;
	s13 =	sadd.s32 s14, s20  }
0xa9: {  	s17 =	simm.s32 $0x0;
	s21 =	sshll.u32 s15, $0x1;
	s15 =	sadd.s32 s22, s13  }
0xaa: {  	[timem:s17], [sflag:s23] =	dma.local [hbm:s15], s21  }
0xab: {  	_ =	swait.ge [sflag:s23], s21  }
0xac: {  	s14 =	ssub.s32 $0x0, s21;
	[sflag:s23] =	ssyncset.done $0x0  }
0xad: {  	[sflag:s23] =	ssyncadd.s32 s14;
	_ =	sdelay $0x1  }
0xae: {  	s24 =	simm.s32 $0x1B8B  }
0xaf: {  	_ =	swait.ge [sflag:s24], $0x1  }
0xb0: {  	[sflag:s24] =	ssyncset.done $0x0  }
0xb1: {  	s25 =	simm.s32 $0x1B8E;
	[sflag:s24] =	ssyncadd.s32 $0xFFFFFFFF  }
0xb2: {  	s26 =	simm.s32 $execute0_lowered;
	[smem:$0x3FD2] =	sst s25  }
0xb3: {  	s14 =	sshll.u32 s26, $0x1;
	_ =	strace $0x80000046;
	[dreg:$0x1] =	wrdreg $0xFFFFFFFF  }
0xb4: {  	s28 =	simm.s32 $_size_execute0_lowered;
	s13 =	sadd.s32 s13, s14;
	[dreg:$0x0] =	wrdreg $0x0  }
0xb5: {  	s14 =	sshll.u32 s28, $0x1;
	[dreg:$0x2] =	wrdreg s13  }
0xb6: {  	[dreg:$0x3] =	wrdreg s14  }
0xb7: {  	[dreg:$0x4] =	wrdreg $0xC0  }
0xb8: {  	_ =	task [dreg:s17], $0x5FFFF  }
0xb9: {  	[dreg:$0x1] =	wrdreg $0xFFFFFFFF  }
0xba: {  	[dreg:$0x0] =	wrdreg $0x60  }
0xbb: {  	[dreg:$0x2] =	wrdreg s2  }
0xbc: {  	[dreg:$0x3] =	wrdreg s31  }
0xbd: {  	[dreg:$0x4] =	wrdreg s4  }
0xbe: {  	[dreg:$0x5] =	wrdreg s5  }
0xbf: {  	[dreg:$0x6] =	wrdreg s6  }
0xc0: {  	[dreg:$0x7] =	wrdreg s8  }
0xc1: {  	[dreg:$0x8] =	wrdreg s9  }
0xc2: {  	[dreg:$0x9] =	wrdreg s10  }
0xc3: {  	[dreg:$0xa] =	wrdreg s12  }
0xc4: {  	[dreg:$0xb] =	wrdreg s18  }
0xc5: {  	[dreg:$0xc] =	wrdreg s19  }
0xc6: {  	[dreg:$0xd] =	wrdreg $0x120800  }
0xc7: {  	[dreg:$0xe] =	wrdreg $0x182300  }
0xc8: {  	[dreg:$0xf] =	wrdreg $0x9  }
0xc9: {  	_ =	task.clear_ibuf [dreg:s17], $0x10FFFF;
	_ =	strace $0x90000046  }
0xca: {  	s29 =	simm.s32 $0x9;
	_ =	strace $0x80000048  }
0xcb: {  	_ =	swait.ge [sflag:s29], $0x1  }
0xcc: {  	[sflag:s29] =	ssyncadd.s32 $0xFFFFFFFF  }
0xcd: {  	_ =	strace $0x90000048  }
0xce: {  	_ =	sfence  }
0xcf: {  	s30 =	sld [smem:$0x0];
	_ =	sdelay $0x2  }
0xd0: {  	s31 =	sshll.u32 s1, $0xD;
	s1 =	sshrl.u32 s1, $0x2  }
0xd1: {  	s3 =	sand.u32 $0x4000, s31;
	s1 =	sadd.s32 s1, s30  }
0xd2: {  	s0 =	sor.u32 s3, s0;
	s1 =	sshll.u32 s1, $0x11  }
0xd3: {  	s0 =	sor.u32 s1, s0  }
0xd4: {  	s0 =	sadd.s32 $0x8F2B, s0  }
0xd5: {  	[sflag:s0] =	ssyncadd.remote.s32 $0x1  }
0xd6: {  	_ =	sfence.sel $0xFFFF  }
0xd7: {  	[dreg:$0x0] =	wrdreg $0xFFFFFFFF;
	(pc) =	sbr.abs _section_cstart, $3  }
0xd8: {  	[dreg:$0x1] =	wrdreg $0xFFFFFFFF  }
0xd9: {  	_ =	task.clear_ibuf [dreg:s17], $0x2FFFF;
	_ =	strace $0x9FFFFFFF  }
0xda: {  	(tm) =	ssettm $0x7FFFFFFF  }
0xdb: {  	_ =	shalt  }
tec
execute0_lowered:
.L_overlay_start_1:
0x0: {  	(tag) =	ssettag $0x1  }
0x1: {  	s0 =	rddreg [dreg:$0x0]  }
0x2: {  	s1 =	rddreg [dreg:$0x1]  }
0x3: {  	s3 =	rddreg [dreg:$0x2]  }
0x4: {  	s4 =	rddreg [dreg:$0x3]  }
0x5: {  	s6 =	rddreg [dreg:$0x4]  }
0x6: {  	s7 =	rddreg [dreg:$0x5]  }
0x7: {  	s8 =	rddreg [dreg:$0x8]  }
0x8: {  	s9 =	rddreg [dreg:$0x9]  }
0x9: {  	s10 =	rddreg [dreg:$0xa]  }
0xa: {  	s2 =	rddreg [dreg:$0xb]  }
0xb: {  	s5 =	srdreg.scid;
	s11 =	stileid.u32  }
0xc: {  	s17 =	rddreg [dreg:$0xc];
	s28 =	simm.s32 $0xF800;
	s29 =	simm.s32 $0x12000  }
0xd: {  	s31 =	simm.s32 $0x0;
	s12 =	sand.u32 $0x1, s5;
	s18 =	sshll.u32 s11, $0x1  }
0xe: {  	s5 =	simm.s32 $0x0;
	p0 =	sne.s32 s11, $0x0;
	s13 =	sor.u32 s12, s18  }
0xf: {  	s14 =	ssub.s32 $0x2, s12;
	[smem:$0x7FF] =	sst s5;
	s21 =	sshll.u32 s13, $0x8  }
0x10: {  	s26 =	sshll.u32 s12, $0xC;
	s15 =	smul.u32 $0x500, s13;
	s23 =	sadd.s32 s4, s21  }
0x11: {  	_ =	strace $0x80000047;
	s24 =	sadd.s32 s6, s21;
	[dreg:$0x12] =	wrdreg s23  }
0x12: {  	s18 =	sshrl.u32 @!p0 s17, $0x3;
	s25 =	sadd.s32 s7, s21;
	[dreg:$0x13] =	wrdreg s24  }
0x13: {  	s16 =	sshrl.u32 s14, $0x1;
	s0 =	sadd.s32 s0, s15;
	[dreg:$0x14] =	wrdreg s25  }
0x14: {  	s14 =	ssub.s32 s14, s16;
	s19 =	sadd.s32 s1, s15;
	[dreg:$0xe] =	wrdreg s0  }
0x15: {  	s16 =	simm.s32 $0x5;
	s20 =	sadd.s32 s3, s15;
	[dreg:$0xf] =	wrdreg s19  }
0x16: {  	v0 =	vlaneseq.u32;
	s22 =	sadd.s32 s8, s15;
	s30 =	smax.u32 s14, $0x1;
	[dreg:$0x10] =	wrdreg s20  }
0x17: {  	v1 =	vor.u32 $0x10, v0;
	v2 =	vor.u32 $0x20, v0;
	v3 =	vor.u32 $0x30, v0;
	s23 =	simm.s32 $0x1;
	s24 =	simm.s32 $0x2;
	[dreg:$0x11] =	wrdreg s22  }
0x18: {  	v4 =	vor.u32 $0x40, v0;
	v5 =	vor.u32 $0x50, v0;
	v6 =	vor.u32 $0x60, v0;
	s25 =	simm.s32 $0x3;
	s0 =	sadd.s32 s9, s21;
	[dreg:$0x17] =	wrdreg s30  }
0x19: {  	v7 =	vor.u32 $0x70, v0;
	v8 =	vor.u32 $0x80, v0;
	v9 =	vor.u32 $0x90, v0;
	s19 =	simm.s32 $0xD000;
	[dreg:$0x15] =	wrdreg s0;
	s0 =	sadd.s32 s10, s26  }
0x1a: {  	v10 =	vor.u32 $0xA0, v0;
	v11 =	vor.u32 $0xB0, v0;
	v12 =	vor.u32 $0xC0, v0;
	s20 =	simm.s32 $0x80;
	[dreg:$0x16] =	wrdreg s0;
	s0 =	sshrl.u32 @!p0 s2, $0x3  }
0x1b: {  	v13 =	vor.u32 $0xD0, v0;
	v14 =	vor.u32 $0xE0, v0;
	v15 =	vor.u32 $0xF0, v0;
	s22 =	simm.s32 $0xD100;
	s26 =	simm.s32 $0x4;
	[dreg:$0x18] =	wrdreg s0  }
.LBB2_1:
0x1c: {  	s3 =	rddreg [dreg:$0x7]  }
0x1d: {  	[tilespmem:s5], [sflag:$0x5] =	stream.linear.gather [hbm4b:s3+s5], $0x8000, $0x38;
	[tilespmem:$0x18A30] =	vst v63  }
0x1e: {  	_ =	swait.ge [sflag:s16], $0x8000  }
0x1f: {  	[sflag:s16] =	ssyncset.done $0x0  }
0x20: {  	s4 =	rddreg [dreg:$0x18];
	[sflag:s16] =	ssyncadd.s32 $0xFFFF8000  }
0x21: {  	s0 =	simm.s32 @!p0 $0x1C05;
	s1 =	rddreg [dreg:$0x6]  }
0x22: {  	[spmem:s4], [sflag:s0] =	dma.local @!p0 [hbm:s1], $0xC351  }
0x23: {  	s1 =	simm.s32 @!p0 $0x5  }
0x24: {  	_ =	swait.ge @!p0 [sflag:s1], $0xC351  }
0x25: {  	[sflag:s1] =	ssyncset.done @!p0 $0x0  }
0x26: {  	[sflag:s1] =	ssyncadd.s32 @!p0 $0xFFFF3CAF  }
0x27: {  	[spmem:s18], [sflag:s0] =	dma.local @!p0 [hbm:s3], $0x1000  }
0x28: {  	_ =	swait.ge @!p0 [sflag:s1], $0x1000  }
0x29: {  	[sflag:s1] =	ssyncset.done @!p0 $0x0  }
0x2a: {  	[sflag:s1] =	ssyncadd.s32 @!p0 $0xFFFFF000  }
0x2b: {  	[bflag:$0x0] =	sbarrier.arrive $0xFFFF  }
0x2c: {  	s0 =	simm.s32 $0x8000;
	s14 =	rddreg [dreg:$0xe]  }
0x2d: {  	[tilespmem:s0], [sflag:$0x5] =	stream.linear.gather [hbm4b:s14+s5], $0x2800, $0x38;
	[tilespmem:$0x18A30] =	vst v63  }
0x2e: {  	_ =	swait.ge [sflag:s16], $0x2800  }
0x2f: {  	[sflag:s16] =	ssyncset.done $0x0  }
0x30: {  	s3 =	simm.s32 $0xA800;
	s15 =	rddreg [dreg:$0xf];
	[sflag:s16] =	ssyncadd.s32 $0xFFFFD800  }
0x31: {  	[tilespmem:s3], [sflag:$0x5] =	stream.linear.gather [hbm4b:s15+s5], $0x2800, $0x38;
	[tilespmem:$0x18A30] =	vst v63  }
0x32: {  	_ =	swait.ge [sflag:s16], $0x2800  }
0x33: {  	[sflag:s16] =	ssyncset.done $0x0  }
0x34: {  	s17 =	rddreg [dreg:$0x10];
	[sflag:s16] =	ssyncadd.s32 $0xFFFFD800  }
0x35: {  	[tilespmem:s19], [sflag:$0x5] =	stream.linear.gather [hbm4b:s17+s5], $0x2800, $0x38;
	[tilespmem:$0x18A30] =	vst v63  }
0x36: {  	s21 =	simm.s32 $0xD080;
	s30 =	simm.s32 $0xF900;
	_ =	swait.ge [sflag:s16], $0x2800  }
0x37: {  	s6 =	simm.s32 $0xA880;
	s7 =	simm.s32 $0x8100;
	[sflag:s16] =	ssyncset.done $0x0  }
0x38: {  	s8 =	simm.s32 $0xA900;
	s9 =	simm.s32 $0x8180;
	[sflag:s16] =	ssyncadd.s32 $0xFFFFD800  }
0x39: {  	[tilespmem:s28], [sflag:$0x1] =	stream.indirect.gather [spmem:s2], $0x1, s19, s20, $0xb8;
	[tilespmem:$0x18A30] =	vst v63  }
0x3a: {  	s10 =	simm.s32 $0xA980;
	s11 =	simm.s32 $0xF980;
	s1 =	simm.s32 $0xF880  }
0x3b: {  	[tilespmem:s1], [sflag:$0x2] =	stream.indirect.gather [spmem:s2], $0x1, s21, s20, $0xb8;
	[tilespmem:$0x18A30] =	vst v63  }
0x3c: {  	s12 =	simm.s32 $0xF800;
	s13 =	simm.s32 $0x0;
	s4 =	simm.s32 $0x8080  }
0x3d: {  	[tilespmem:s30], [sflag:$0x3] =	stream.indirect.gather [spmem:s2], $0x1, s22, s20, $0xb8;
	[tilespmem:$0x18A30] =	vst v63  }
.LBB2_2:
0x3e: {  	s14 =	sshll.u32 s13, $0x9  }
0x3f: {  	v16 =	vmov s3;
	s15 =	sadd.s32 $0xF980, s14;
	s21 =	sadd.s32 $0xD180, s14  }
0x40: {  	v18 =	vmov s0;
	[tilespmem:s15], [sflag:$0x4] =	stream.indirect.gather [spmem:s2], $0x1, s21, s20, $0xb8;
	[tilespmem:$0x18A30] =	vst v63  }
0x41: {  	_ =	swait.ge [sflag:s23], $0x80  }
0x42: {  	[sflag:s23] =	ssyncset.done $0x0  }
0x43: {  	v17 =	vmov s12;
	s21 =	simm.s32 $0x0;
	[sflag:s23] =	ssyncadd.s32 $0xFFFFFF80  }
0x44: {  	v21 =	vld.idx.msk [tilespmem:v16+s21+$0x0 ss:$0x1], $0xffff  }
0x45: {  	v20 =	vld.idx.msk [tilespmem:v18+s21+$0x0 ss:$0x1], $0xffff;
	_ =	sdelay $0x2  }
0x46: {  	v19 =	vld.idx.msk [tilespmem:v17+s21+$0x0 ss:$0x1], $0xffff  }
0x47: {  	v21 =	vadd.s32 $0x2780, v21  }
0x48: {  	s21 =	simm.s32 $0x10  }
0x49: {  	s15 =	simm.s32 $0x80;
	v22 =	vld.idx.msk [tilespmem:v18+s21+$0x0 ss:$0x1], $0xffff  }
.LBB2_3:
0x4a: {  	p1 =	sne.s32 s15, $0x1C0;
	v23 =	vld.idx.msk [tilespmem:v16+s21+$0x0 ss:$0x1], $0xffff  }
0x4b: {  	[tilespmem:v20+s5+$0x0] =	vst.idx.add.f32.msk $0xffff, v19  }
0x4c: {  	[tilespmem:v21+s5+$0x0] =	vst.idx.add.f32.msk $0xffff, v19;
	_ =	sdelay $0x1  }
.Ltmp0:
0x4d: {  	v19 =	vld.idx.msk [tilespmem:v17+s21+$0x0 ss:$0x1], $0xffff;
	v20 =	vmov v22;
	(pc) =	sbr.rel @p1 .LBB2_3-.Ltmp0, $4  }
0x4e: {  	_ = 	snop  }
0x4f: {  	v21 =	vadd.s32 $0x2780, v23  }
0x50: {  	s21 =	sshra.s32 s15, $0x2  }
0x51: {  	s15 =	sadd.s32 $0x40, s15;
	v22 =	vld.idx.msk [tilespmem:v18+s21+$0x0 ss:$0x1], $0xffff  }
0x52: {  	_ =	sdelay $0x3  }
0x53: {  	v16 =	vld.idx.msk [tilespmem:v16+s21+$0x0 ss:$0x1], $0xffff;
	_ =	sdelay $0x3  }
0x54: {  	v17 =	vld.idx.msk [tilespmem:v17+s21+$0x0 ss:$0x1], $0xffff  }
0x55: {  	v16 =	vadd.s32 $0x2780, v16;
	_ =	sdelay $0x1  }
0x56: {  	[tilespmem:v20+s5+$0x0] =	vst.idx.add.f32.msk $0xffff, v19  }
0x57: {  	[tilespmem:v21+s5+$0x0] =	vst.idx.add.f32.msk $0xffff, v19  }
0x58: {  	p1 =	seq.s32 s13, $0x13;
	[tilespmem:v22+s5+$0x0] =	vst.idx.add.f32.msk $0xffff, v17  }
0x59: {  	s15 =	sadd.s32 @!p1 $0xFA00, s14;
	s21 =	sadd.s32 @!p1 $0xD200, s14;
	s17 =	simm.s32 @!p1 $0x80;
	[tilespmem:v16+s5+$0x0] =	vst.idx.add.f32.msk $0xffff, v17;
	v16 =	vmov s6  }
0x5a: {  	v18 =	vmov s4;
	[tilespmem:s15], [sflag:$0x1] =	stream.indirect.gather @!p1 [spmem:s2], $0x1, s21, s17, $0xb8;
	[tilespmem:$0x18A30] =	vst v63  }
0x5b: {  	_ =	swait.ge [sflag:s24], $0x80  }
0x5c: {  	[sflag:s24] =	ssyncset.done $0x0  }
0x5d: {  	v17 =	vmov s1;
	s21 =	simm.s32 $0x0;
	[sflag:s24] =	ssyncadd.s32 $0xFFFFFF80  }
0x5e: {  	v21 =	vld.idx.msk [tilespmem:v16+s21+$0x0 ss:$0x1], $0xffff  }
0x5f: {  	v20 =	vld.idx.msk [tilespmem:v18+s21+$0x0 ss:$0x1], $0xffff;
	_ =	sdelay $0x2  }
0x60: {  	v19 =	vld.idx.msk [tilespmem:v17+s21+$0x0 ss:$0x1], $0xffff  }
0x61: {  	v21 =	vadd.s32 $0x2780, v21  }
0x62: {  	s21 =	simm.s32 $0x10  }
0x63: {  	s15 =	simm.s32 $0x80;
	v22 =	vld.idx.msk [tilespmem:v18+s21+$0x0 ss:$0x1], $0xffff  }
.LBB2_5:
0x64: {  	p2 =	sne.s32 s15, $0x1C0;
	v23 =	vld.idx.msk [tilespmem:v16+s21+$0x0 ss:$0x1], $0xffff  }
0x65: {  	[tilespmem:v20+s5+$0x0] =	vst.idx.add.f32.msk $0xffff, v19  }
0x66: {  	[tilespmem:v21+s5+$0x0] =	vst.idx.add.f32.msk $0xffff, v19;
	_ =	sdelay $0x1  }
.Ltmp1:
0x67: {  	v19 =	vld.idx.msk [tilespmem:v17+s21+$0x0 ss:$0x1], $0xffff;
	v20 =	vmov v22;
	(pc) =	sbr.rel @p2 .LBB2_5-.Ltmp1, $4  }
0x68: {  	_ = 	snop  }
0x69: {  	v21 =	vadd.s32 $0x2780, v23  }
0x6a: {  	s21 =	sshra.s32 s15, $0x2  }
0x6b: {  	s15 =	sadd.s32 $0x40, s15;
	v22 =	vld.idx.msk [tilespmem:v18+s21+$0x0 ss:$0x1], $0xffff  }
0x6c: {  	_ =	sdelay $0x3  }
0x6d: {  	v16 =	vld.idx.msk [tilespmem:v16+s21+$0x0 ss:$0x1], $0xffff;
	_ =	sdelay $0x3  }
0x6e: {  	v17 =	vld.idx.msk [tilespmem:v17+s21+$0x0 ss:$0x1], $0xffff  }
0x6f: {  	v16 =	vadd.s32 $0x2780, v16;
	_ =	sdelay $0x1  }
0x70: {  	[tilespmem:v20+s5+$0x0] =	vst.idx.add.f32.msk $0xffff, v19  }
0x71: {  	[tilespmem:v21+s5+$0x0] =	vst.idx.add.f32.msk $0xffff, v19  }
0x72: {  	[tilespmem:v22+s5+$0x0] =	vst.idx.add.f32.msk $0xffff, v17  }
0x73: {  	s15 =	sadd.s32 @!p1 $0xFA80, s14;
	s17 =	sadd.s32 @!p1 $0xD280, s14;
	s21 =	simm.s32 @!p1 $0x80;
	[tilespmem:v16+s5+$0x0] =	vst.idx.add.f32.msk $0xffff, v17;
	v16 =	vmov s8  }
0x74: {  	v18 =	vmov s7;
	[tilespmem:s15], [sflag:$0x2] =	stream.indirect.gather @!p1 [spmem:s2], $0x1, s17, s21, $0xb8;
	[tilespmem:$0x18A30] =	vst v63  }
0x75: {  	_ =	swait.ge [sflag:s25], $0x80  }
0x76: {  	[sflag:s25] =	ssyncset.done $0x0  }
0x77: {  	v17 =	vmov s30;
	s21 =	simm.s32 $0x0;
	[sflag:s25] =	ssyncadd.s32 $0xFFFFFF80  }
0x78: {  	v21 =	vld.idx.msk [tilespmem:v16+s21+$0x0 ss:$0x1], $0xffff  }
0x79: {  	v20 =	vld.idx.msk [tilespmem:v18+s21+$0x0 ss:$0x1], $0xffff;
	_ =	sdelay $0x2  }
0x7a: {  	v19 =	vld.idx.msk [tilespmem:v17+s21+$0x0 ss:$0x1], $0xffff  }
0x7b: {  	v21 =	vadd.s32 $0x2780, v21  }
0x7c: {  	s21 =	simm.s32 $0x10  }
0x7d: {  	s15 =	simm.s32 $0x80;
	v22 =	vld.idx.msk [tilespmem:v18+s21+$0x0 ss:$0x1], $0xffff  }
.LBB2_7:
0x7e: {  	p2 =	sne.s32 s15, $0x1C0;
	v23 =	vld.idx.msk [tilespmem:v16+s21+$0x0 ss:$0x1], $0xffff  }
0x7f: {  	[tilespmem:v20+s5+$0x0] =	vst.idx.add.f32.msk $0xffff, v19  }
0x80: {  	[tilespmem:v21+s5+$0x0] =	vst.idx.add.f32.msk $0xffff, v19;
	_ =	sdelay $0x1  }
.Ltmp2:
0x81: {  	v19 =	vld.idx.msk [tilespmem:v17+s21+$0x0 ss:$0x1], $0xffff;
	v20 =	vmov v22;
	(pc) =	sbr.rel @p2 .LBB2_7-.Ltmp2, $4  }
0x82: {  	_ = 	snop  }
0x83: {  	v21 =	vadd.s32 $0x2780, v23  }
0x84: {  	s21 =	sshra.s32 s15, $0x2  }
0x85: {  	s15 =	sadd.s32 $0x40, s15;
	v22 =	vld.idx.msk [tilespmem:v18+s21+$0x0 ss:$0x1], $0xffff  }
0x86: {  	_ =	sdelay $0x3  }
0x87: {  	v16 =	vld.idx.msk [tilespmem:v16+s21+$0x0 ss:$0x1], $0xffff;
	_ =	sdelay $0x3  }
0x88: {  	v17 =	vld.idx.msk [tilespmem:v17+s21+$0x0 ss:$0x1], $0xffff  }
0x89: {  	v16 =	vadd.s32 $0x2780, v16;
	_ =	sdelay $0x1  }
0x8a: {  	[tilespmem:v20+s5+$0x0] =	vst.idx.add.f32.msk $0xffff, v19  }
0x8b: {  	[tilespmem:v21+s5+$0x0] =	vst.idx.add.f32.msk $0xffff, v19  }
0x8c: {  	[tilespmem:v22+s5+$0x0] =	vst.idx.add.f32.msk $0xffff, v17  }
0x8d: {  	s15 =	sadd.s32 @!p1 $0xFB00, s14;
	s14 =	sadd.s32 @!p1 $0xD300, s14;
	s17 =	simm.s32 @!p1 $0x80;
	[tilespmem:v16+s5+$0x0] =	vst.idx.add.f32.msk $0xffff, v17;
	v16 =	vmov s10  }
0x8e: {  	v19 =	vmov s9;
	[tilespmem:s15], [sflag:$0x3] =	stream.indirect.gather @!p1 [spmem:s2], $0x1, s14, s17, $0xb8;
	[tilespmem:$0x18A30] =	vst v63  }
0x8f: {  	_ =	swait.ge [sflag:s26], $0x80  }
0x90: {  	[sflag:s26] =	ssyncset.done $0x0  }
0x91: {  	v18 =	vmov s11;
	s21 =	simm.s32 $0x0;
	[sflag:s26] =	ssyncadd.s32 $0xFFFFFF80  }
0x92: {  	v20 =	vld.idx.msk [tilespmem:v16+s21+$0x0 ss:$0x1], $0xffff  }
0x93: {  	v21 =	vld.idx.msk [tilespmem:v19+s21+$0x0 ss:$0x1], $0xffff;
	_ =	sdelay $0x2  }
0x94: {  	v17 =	vld.idx.msk [tilespmem:v18+s21+$0x0 ss:$0x1], $0xffff  }
0x95: {  	v22 =	vadd.s32 $0x2780, v20  }
0x96: {  	s15 =	simm.s32 $0x10  }
0x97: {  	s14 =	simm.s32 $0x80;
	v20 =	vld.idx.msk [tilespmem:v19+s15+$0x0 ss:$0x1], $0xffff  }
.LBB2_9:
0x98: {  	p1 =	sne.s32 s14, $0x1C0;
	v23 =	vld.idx.msk [tilespmem:v16+s15+$0x0 ss:$0x1], $0xffff  }
0x99: {  	[tilespmem:v21+s5+$0x0] =	vst.idx.add.f32.msk $0xffff, v17  }
0x9a: {  	[tilespmem:v22+s5+$0x0] =	vst.idx.add.f32.msk $0xffff, v17;
	_ =	sdelay $0x1  }
.Ltmp3:
0x9b: {  	v17 =	vld.idx.msk [tilespmem:v18+s15+$0x0 ss:$0x1], $0xffff;
	v21 =	vmov v20;
	(pc) =	sbr.rel @p1 .LBB2_9-.Ltmp3, $4  }
0x9c: {  	_ = 	snop  }
0x9d: {  	v22 =	vadd.s32 $0x2780, v23  }
0x9e: {  	s15 =	sshra.s32 s14, $0x2  }
0x9f: {  	s14 =	sadd.s32 $0x40, s14;
	v20 =	vld.idx.msk [tilespmem:v19+s15+$0x0 ss:$0x1], $0xffff  }
0xa0: {  	_ =	sdelay $0x3  }
0xa1: {  	v16 =	vld.idx.msk [tilespmem:v16+s15+$0x0 ss:$0x1], $0xffff;
	_ =	sdelay $0x3  }
0xa2: {  	v18 =	vld.idx.msk [tilespmem:v18+s15+$0x0 ss:$0x1], $0xffff;
	s13 =	sadd.s32 $0x1, s13  }
0xa3: {  	p1 =	sne.s32 s13, $0x14;
	v16 =	vadd.s32 $0x2780, v16  }
.Ltmp4:
0xa4: {  	_ = 	snop;
	(pc) =	sbr.rel @p1 .LBB2_2-.Ltmp4, $4  }
0xa5: {  	s0 =	sadd.s32 $0x200, s0;
	[tilespmem:v21+s5+$0x0] =	vst.idx.add.f32.msk $0xffff, v17;
	s3 =	sadd.s32 $0x200, s3;
	s12 =	sadd.s32 $0x200, s12  }
0xa6: {  	s4 =	sadd.s32 $0x200, s4;
	s6 =	sadd.s32 $0x200, s6;
	s1 =	sadd.s32 $0x200, s1;
	[tilespmem:v22+s5+$0x0] =	vst.idx.add.f32.msk $0xffff, v17  }
0xa7: {  	s7 =	sadd.s32 $0x200, s7;
	s8 =	sadd.s32 $0x200, s8;
	s30 =	sadd.s32 $0x200, s30;
	[tilespmem:v20+s5+$0x0] =	vst.idx.add.f32.msk $0xffff, v18  }
0xa8: {  	s9 =	sadd.s32 $0x200, s9;
	s10 =	sadd.s32 $0x200, s10;
	s11 =	sadd.s32 $0x200, s11;
	[tilespmem:v16+s5+$0x0] =	vst.idx.add.f32.msk $0xffff, v18  }
0xa9: {  	s3 =	simm.s32 $0x0;
	s0 =	simm.s32 $0xF800;
	s1 =	rddreg [dreg:$0x11]  }
0xaa: {  	[hbm4b:s1+s3] =	stream.linear.scatter [tilespmem:s0], [sflag:$0x5], $0x2800, $0x38;
	[tilespmem:$0x18A30] =	vst v63  }
0xab: {  	_ =	swait.ge [sflag:s16], $0x2800  }
0xac: {  	[sflag:s16] =	ssyncset.done $0x0  }
0xad: {  	s30 =	simm.s32 $0x8000;
	s17 =	rddreg [dreg:$0x12];
	[sflag:s16] =	ssyncadd.s32 $0xFFFFD800  }
0xae: {  	[tilespmem:s30], [sflag:$0x5] =	stream.linear.gather [hbm4b:s17+s3], $0x800, $0x38;
	[tilespmem:$0x18A30] =	vst v63  }
0xaf: {  	_ =	swait.ge [sflag:s16], $0x800  }
0xb0: {  	[sflag:s16] =	ssyncset.done $0x0  }
0xb1: {  	s1 =	simm.s32 $0xA800;
	s4 =	rddreg [dreg:$0x13];
	[sflag:s16] =	ssyncadd.s32 $0xFFFFF800  }
0xb2: {  	[tilespmem:s1], [sflag:$0x5] =	stream.linear.gather [hbm4b:s4+s3], $0x800, $0x38;
	[tilespmem:$0x18A30] =	vst v63  }
0xb3: {  	_ =	swait.ge [sflag:s16], $0x800  }
0xb4: {  	[sflag:s16] =	ssyncset.done $0x0  }
0xb5: {  	s21 =	rddreg [dreg:$0x14];
	[sflag:s16] =	ssyncadd.s32 $0xFFFFF800  }
0xb6: {  	[tilespmem:s19], [sflag:$0x5] =	stream.linear.gather [hbm4b:s21+s3], $0x800, $0x38;
	[tilespmem:$0x18A30] =	vst v63  }
0xb7: {  	_ =	swait.ge [sflag:s16], $0x800  }
0xb8: {  	s6 =	simm.s32 $0xD080;
	s7 =	simm.s32 $0x8080;
	[sflag:s16] =	ssyncset.done $0x0  }
0xb9: {  	s8 =	simm.s32 $0xA880;
	s9 =	simm.s32 $0x8100;
	[sflag:s16] =	ssyncadd.s32 $0xFFFFF800  }
0xba: {  	[tilespmem:s0], [sflag:$0x1] =	stream.indirect.gather [spmem:s2], $0x1, s19, s20, $0xb8;
	[tilespmem:$0x18A30] =	vst v63  }
0xbb: {  	s10 =	simm.s32 $0xA900;
	s11 =	simm.s32 $0x8180;
	s4 =	simm.s32 $0xF880  }
0xbc: {  	[tilespmem:s4], [sflag:$0x2] =	stream.indirect.gather [spmem:s2], $0x1, s6, s20, $0xb8;
	[tilespmem:$0x18A30] =	vst v63  }
0xbd: {  	s12 =	simm.s32 $0xA980;
	s13 =	simm.s32 $0xF980;
	s6 =	simm.s32 $0xF900  }
0xbe: {  	[tilespmem:s6], [sflag:$0x3] =	stream.indirect.gather [spmem:s2], $0x1, s22, s20, $0xb8;
	[tilespmem:$0x18A30] =	vst v63  }
.LBB2_12:
0xbf: {  	s14 =	sshll.u32 s3, $0x9  }
0xc0: {  	v16 =	vmov s30;
	s15 =	sadd.s32 $0xF980, s14;
	s17 =	sadd.s32 $0xD180, s14  }
0xc1: {  	v17 =	vmov s1;
	[tilespmem:s15], [sflag:$0x4] =	stream.indirect.gather [spmem:s2], $0x1, s17, s20, $0xb8;
	[tilespmem:$0x18A30] =	vst v63  }
0xc2: {  	_ =	swait.ge [sflag:s23], $0x80  }
0xc3: {  	v18 =	vmov s0;
	[sflag:s23] =	ssyncset.done $0x0  }
0xc4: {  	s21 =	simm.s32 $0x0;
	[sflag:s23] =	ssyncadd.s32 $0xFFFFFF80  }
0xc5: {  	v21 =	vld.idx.msk [tilespmem:v16+s21+$0x0 ss:$0x1], $0xffff  }
0xc6: {  	v24 =	vld.idx.msk [tilespmem:v17+s21+$0x0 ss:$0x1], $0xffff;
	_ =	sdelay $0x1  }
0xc7: {  	s15 =	simm.s32 $0x10;
	v19 =	vld.idx.msk [tilespmem:v18+s21+$0x0 ss:$0x1], $0xffff  }
0xc8: {  	v20 =	vld.idx.msk [tilespmem:v16+s15+$0x0 ss:$0x1], $0xffff  }
0xc9: {  	v23 =	vadd.s32 $0x3780, v21  }
0xca: {  	s21 =	simm.s32 $0x80;
	v22 =	vld.idx.msk [tilespmem:v17+s15+$0x0 ss:$0x1], $0xffff;
	v21 =	vadd.s32 $0x4780, v24  }
.LBB2_13:
0xcb: {  	p1 =	sne.s32 s21, $0x1C0  }
.Ltmp5:
0xcc: {  	v24 =	vmov v19;
	v19 =	vld.idx.msk [tilespmem:v18+s15+$0x0 ss:$0x1], $0xffff;
	s15 =	sshra.s32 s21, $0x2;
	(pc) =	sbr.rel @p1 .LBB2_13-.Ltmp5, $4  }
0xcd: {  	v25 =	vmov v20;
	v20 =	vld.idx.msk [tilespmem:v16+s15+$0x0 ss:$0x1], $0xffff  }
0xce: {  	[tilespmem:v23+s5+$0x0] =	vst.idx.add.f32.msk $0xffff, v24  }
0xcf: {  	s21 =	sadd.s32 $0x40, s21;
	v23 =	vadd.s32 $0x3780, v25;
	[tilespmem:v21+s5+$0x0] =	vst.idx.add.f32.msk $0xffff, v24  }
0xd0: {  	v21 =	vadd.s32 $0x4780, v22;
	v22 =	vld.idx.msk [tilespmem:v17+s15+$0x0 ss:$0x1], $0xffff  }
0xd1: {  	_ =	sdelay $0x3  }
0xd2: {  	v16 =	vld.idx.msk [tilespmem:v18+s15+$0x0 ss:$0x1], $0xffff;
	v17 =	vadd.s32 $0x3780, v20  }
0xd3: {  	v18 =	vadd.s32 $0x4780, v22;
	_ =	sdelay $0x1  }
0xd4: {  	[tilespmem:v23+s5+$0x0] =	vst.idx.add.f32.msk $0xffff, v19  }
0xd5: {  	[tilespmem:v21+s5+$0x0] =	vst.idx.add.f32.msk $0xffff, v19  }
0xd6: {  	p1 =	seq.s32 s3, $0x3;
	[tilespmem:v17+s5+$0x0] =	vst.idx.add.f32.msk $0xffff, v16  }
0xd7: {  	s15 =	sadd.s32 @!p1 $0xFA00, s14;
	s17 =	sadd.s32 @!p1 $0xD200, s14;
	s21 =	simm.s32 @!p1 $0x80;
	[tilespmem:v18+s5+$0x0] =	vst.idx.add.f32.msk $0xffff, v16;
	v16 =	vmov s7  }
0xd8: {  	v17 =	vmov s8;
	[tilespmem:s15], [sflag:$0x1] =	stream.indirect.gather @!p1 [spmem:s2], $0x1, s17, s21, $0xb8;
	[tilespmem:$0x18A30] =	vst v63  }
0xd9: {  	_ =	swait.ge [sflag:s24], $0x80  }
0xda: {  	v18 =	vmov s4;
	[sflag:s24] =	ssyncset.done $0x0  }
0xdb: {  	s21 =	simm.s32 $0x0;
	[sflag:s24] =	ssyncadd.s32 $0xFFFFFF80  }
0xdc: {  	v21 =	vld.idx.msk [tilespmem:v16+s21+$0x0 ss:$0x1], $0xffff  }
0xdd: {  	v24 =	vld.idx.msk [tilespmem:v17+s21+$0x0 ss:$0x1], $0xffff;
	_ =	sdelay $0x1  }
0xde: {  	s15 =	simm.s32 $0x10;
	v19 =	vld.idx.msk [tilespmem:v18+s21+$0x0 ss:$0x1], $0xffff  }
0xdf: {  	v20 =	vld.idx.msk [tilespmem:v16+s15+$0x0 ss:$0x1], $0xffff  }
0xe0: {  	v23 =	vadd.s32 $0x3780, v21  }
0xe1: {  	s21 =	simm.s32 $0x80;
	v22 =	vld.idx.msk [tilespmem:v17+s15+$0x0 ss:$0x1], $0xffff;
	v21 =	vadd.s32 $0x4780, v24  }
.LBB2_15:
0xe2: {  	p2 =	sne.s32 s21, $0x1C0  }
.Ltmp6:
0xe3: {  	v24 =	vmov v19;
	v19 =	vld.idx.msk [tilespmem:v18+s15+$0x0 ss:$0x1], $0xffff;
	s15 =	sshra.s32 s21, $0x2;
	(pc) =	sbr.rel @p2 .LBB2_15-.Ltmp6, $4  }
0xe4: {  	v25 =	vmov v20;
	v20 =	vld.idx.msk [tilespmem:v16+s15+$0x0 ss:$0x1], $0xffff  }
0xe5: {  	[tilespmem:v23+s5+$0x0] =	vst.idx.add.f32.msk $0xffff, v24  }
0xe6: {  	s21 =	sadd.s32 $0x40, s21;
	v23 =	vadd.s32 $0x3780, v25;
	[tilespmem:v21+s5+$0x0] =	vst.idx.add.f32.msk $0xffff, v24  }
0xe7: {  	v21 =	vadd.s32 $0x4780, v22;
	v22 =	vld.idx.msk [tilespmem:v17+s15+$0x0 ss:$0x1], $0xffff  }
0xe8: {  	_ =	sdelay $0x3  }
0xe9: {  	v16 =	vld.idx.msk [tilespmem:v18+s15+$0x0 ss:$0x1], $0xffff;
	v17 =	vadd.s32 $0x3780, v20  }
0xea: {  	v18 =	vadd.s32 $0x4780, v22;
	_ =	sdelay $0x1  }
0xeb: {  	[tilespmem:v23+s5+$0x0] =	vst.idx.add.f32.msk $0xffff, v19  }
0xec: {  	[tilespmem:v21+s5+$0x0] =	vst.idx.add.f32.msk $0xffff, v19  }
0xed: {  	[tilespmem:v17+s5+$0x0] =	vst.idx.add.f32.msk $0xffff, v16  }
0xee: {  	s15 =	sadd.s32 @!p1 $0xFA80, s14;
	s17 =	sadd.s32 @!p1 $0xD280, s14;
	s21 =	simm.s32 @!p1 $0x80;
	[tilespmem:v18+s5+$0x0] =	vst.idx.add.f32.msk $0xffff, v16;
	v16 =	vmov s9  }
0xef: {  	v17 =	vmov s10;
	[tilespmem:s15], [sflag:$0x2] =	stream.indirect.gather @!p1 [spmem:s2], $0x1, s17, s21, $0xb8;
	[tilespmem:$0x18A30] =	vst v63  }
0xf0: {  	_ =	swait.ge [sflag:s25], $0x80  }
0xf1: {  	v18 =	vmov s6;
	[sflag:s25] =	ssyncset.done $0x0  }
0xf2: {  	s21 =	simm.s32 $0x0;
	[sflag:s25] =	ssyncadd.s32 $0xFFFFFF80  }
0xf3: {  	v21 =	vld.idx.msk [tilespmem:v16+s21+$0x0 ss:$0x1], $0xffff  }
0xf4: {  	v24 =	vld.idx.msk [tilespmem:v17+s21+$0x0 ss:$0x1], $0xffff;
	_ =	sdelay $0x1  }
0xf5: {  	s15 =	simm.s32 $0x10;
	v19 =	vld.idx.msk [tilespmem:v18+s21+$0x0 ss:$0x1], $0xffff  }
0xf6: {  	v20 =	vld.idx.msk [tilespmem:v16+s15+$0x0 ss:$0x1], $0xffff  }
0xf7: {  	v23 =	vadd.s32 $0x3780, v21  }
0xf8: {  	s21 =	simm.s32 $0x80;
	v22 =	vld.idx.msk [tilespmem:v17+s15+$0x0 ss:$0x1], $0xffff;
	v21 =	vadd.s32 $0x4780, v24  }
.LBB2_17:
0xf9: {  	p2 =	sne.s32 s21, $0x1C0  }
.Ltmp7:
0xfa: {  	v24 =	vmov v19;
	v19 =	vld.idx.msk [tilespmem:v18+s15+$0x0 ss:$0x1], $0xffff;
	s15 =	sshra.s32 s21, $0x2;
	(pc) =	sbr.rel @p2 .LBB2_17-.Ltmp7, $4  }
0xfb: {  	v25 =	vmov v20;
	v20 =	vld.idx.msk [tilespmem:v16+s15+$0x0 ss:$0x1], $0xffff  }
0xfc: {  	[tilespmem:v23+s5+$0x0] =	vst.idx.add.f32.msk $0xffff, v24  }
0xfd: {  	s21 =	sadd.s32 $0x40, s21;
	v23 =	vadd.s32 $0x3780, v25;
	[tilespmem:v21+s5+$0x0] =	vst.idx.add.f32.msk $0xffff, v24  }
0xfe: {  	v21 =	vadd.s32 $0x4780, v22;
	v22 =	vld.idx.msk [tilespmem:v17+s15+$0x0 ss:$0x1], $0xffff  }
0xff: {  	_ =	sdelay $0x3  }
0x100: {  	v16 =	vld.idx.msk [tilespmem:v18+s15+$0x0 ss:$0x1], $0xffff;
	v17 =	vadd.s32 $0x3780, v20  }
0x101: {  	v18 =	vadd.s32 $0x4780, v22;
	_ =	sdelay $0x1  }
0x102: {  	[tilespmem:v23+s5+$0x0] =	vst.idx.add.f32.msk $0xffff, v19  }
0x103: {  	[tilespmem:v21+s5+$0x0] =	vst.idx.add.f32.msk $0xffff, v19  }
0x104: {  	[tilespmem:v17+s5+$0x0] =	vst.idx.add.f32.msk $0xffff, v16  }
0x105: {  	s15 =	sadd.s32 @!p1 $0xFB00, s14;
	s14 =	sadd.s32 @!p1 $0xD300, s14;
	s17 =	simm.s32 @!p1 $0x80;
	[tilespmem:v18+s5+$0x0] =	vst.idx.add.f32.msk $0xffff, v16;
	v16 =	vmov s11  }
0x106: {  	v18 =	vmov s12;
	[tilespmem:s15], [sflag:$0x3] =	stream.indirect.gather @!p1 [spmem:s2], $0x1, s14, s17, $0xb8;
	[tilespmem:$0x18A30] =	vst v63  }
0x107: {  	_ =	swait.ge [sflag:s26], $0x80  }
0x108: {  	v19 =	vmov s13;
	[sflag:s26] =	ssyncset.done $0x0  }
0x109: {  	s21 =	simm.s32 $0x0;
	[sflag:s26] =	ssyncadd.s32 $0xFFFFFF80  }
0x10a: {  	v20 =	vld.idx.msk [tilespmem:v16+s21+$0x0 ss:$0x1], $0xffff  }
0x10b: {  	v24 =	vld.idx.msk [tilespmem:v18+s21+$0x0 ss:$0x1], $0xffff;
	_ =	sdelay $0x1  }
0x10c: {  	s14 =	simm.s32 $0x10;
	v17 =	vld.idx.msk [tilespmem:v19+s21+$0x0 ss:$0x1], $0xffff  }
0x10d: {  	v21 =	vld.idx.msk [tilespmem:v16+s14+$0x0 ss:$0x1], $0xffff  }
0x10e: {  	v22 =	vadd.s32 $0x3780, v20  }
0x10f: {  	s15 =	simm.s32 $0x80;
	v23 =	vld.idx.msk [tilespmem:v18+s14+$0x0 ss:$0x1], $0xffff;
	v20 =	vadd.s32 $0x4780, v24  }
.LBB2_19:
0x110: {  	p1 =	sne.s32 s15, $0x1C0  }
.Ltmp8:
0x111: {  	v24 =	vmov v17;
	v17 =	vld.idx.msk [tilespmem:v19+s14+$0x0 ss:$0x1], $0xffff;
	s14 =	sshra.s32 s15, $0x2;
	(pc) =	sbr.rel @p1 .LBB2_19-.Ltmp8, $4  }
0x112: {  	v25 =	vmov v21;
	v21 =	vld.idx.msk [tilespmem:v16+s14+$0x0 ss:$0x1], $0xffff  }
0x113: {  	[tilespmem:v22+s5+$0x0] =	vst.idx.add.f32.msk $0xffff, v24  }
0x114: {  	s15 =	sadd.s32 $0x40, s15;
	v22 =	vadd.s32 $0x3780, v25;
	[tilespmem:v20+s5+$0x0] =	vst.idx.add.f32.msk $0xffff, v24  }
0x115: {  	v20 =	vadd.s32 $0x4780, v23;
	v23 =	vld.idx.msk [tilespmem:v18+s14+$0x0 ss:$0x1], $0xffff  }
0x116: {  	_ =	sdelay $0x3  }
0x117: {  	v16 =	vld.idx.msk [tilespmem:v19+s14+$0x0 ss:$0x1], $0xffff;
	s3 =	sadd.s32 $0x1, s3;
	v18 =	vadd.s32 $0x3780, v21  }
0x118: {  	p1 =	sne.s32 s3, $0x4;
	v63 =	vadd.s32 $0x4780, v23  }
.Ltmp9:
0x119: {  	_ = 	snop;
	(pc) =	sbr.rel @p1 .LBB2_12-.Ltmp9, $4  }
0x11a: {  	s30 =	sadd.s32 $0x200, s30;
	[tilespmem:v22+s5+$0x0] =	vst.idx.add.f32.msk $0xffff, v17;
	s1 =	sadd.s32 $0x200, s1;
	s0 =	sadd.s32 $0x200, s0  }
0x11b: {  	s7 =	sadd.s32 $0x200, s7;
	s8 =	sadd.s32 $0x200, s8;
	s4 =	sadd.s32 $0x200, s4;
	[tilespmem:v20+s5+$0x0] =	vst.idx.add.f32.msk $0xffff, v17  }
0x11c: {  	s9 =	sadd.s32 $0x200, s9;
	s10 =	sadd.s32 $0x200, s10;
	s6 =	sadd.s32 $0x200, s6;
	[tilespmem:v18+s5+$0x0] =	vst.idx.add.f32.msk $0xffff, v16  }
0x11d: {  	s11 =	sadd.s32 $0x200, s11;
	s12 =	sadd.s32 $0x200, s12;
	s13 =	sadd.s32 $0x200, s13;
	[tilespmem:v63+s5+$0x0] =	vst.idx.add.f32.msk $0xffff, v16  }
0x11e: {  	s0 =	rddreg [dreg:$0x15]  }
0x11f: {  	[hbm4b:s0+s5] =	stream.linear.scatter [tilespmem:s28], [sflag:$0x5], $0x800, $0x38;
	[tilespmem:$0x18A30] =	vst v63  }
0x120: {  	_ =	swait.ge [sflag:s16], $0x800  }
0x121: {  	[sflag:s16] =	ssyncset.done $0x0  }
0x122: {  	[sflag:s16] =	ssyncadd.s32 $0xFFFFF800  }
0x123: {  	[tilespmem:$0x12000] =	vst v0  }
0x124: {  	[tilespmem:$0x12010] =	vst v1  }
0x125: {  	[tilespmem:$0x12020] =	vst v2  }
0x126: {  	[tilespmem:$0x12030] =	vst v3  }
0x127: {  	[tilespmem:$0x12040] =	vst v4  }
0x128: {  	[tilespmem:$0x12050] =	vst v5  }
0x129: {  	[tilespmem:$0x12060] =	vst v6  }
0x12a: {  	[tilespmem:$0x12070] =	vst v7;
	s21 =	rddreg [dreg:$0xc]  }
0x12b: {  	[spmem:s21] =	stream.indirect.scatter.add.f32 [tilespmem:s5], [sflag:$0x5], $0x80, s29, s20, $0xb8;
	[tilespmem:$0x18A30] =	vst v63  }
0x12c: {  	_ =	swait.ge [sflag:s16], $0x4000  }
0x12d: {  	[sflag:s16] =	ssyncset.done $0x0  }
0x12e: {  	[sflag:s16] =	ssyncadd.s32 $0xFFFFC000  }
0x12f: {  	[tilespmem:$0x12000] =	vst v8  }
0x130: {  	[tilespmem:$0x12010] =	vst v9  }
0x131: {  	[tilespmem:$0x12020] =	vst v10  }
0x132: {  	[tilespmem:$0x12030] =	vst v11  }
0x133: {  	[tilespmem:$0x12040] =	vst v12  }
0x134: {  	[tilespmem:$0x12050] =	vst v13  }
0x135: {  	[tilespmem:$0x12060] =	vst v14  }
0x136: {  	s1 =	simm.s32 $0x4000;
	[tilespmem:$0x12070] =	vst v15  }
0x137: {  	[spmem:s21] =	stream.indirect.scatter.add.f32 [tilespmem:s1], [sflag:$0x5], $0x80, s29, s20, $0xb8;
	[tilespmem:$0x18A30] =	vst v63  }
0x138: {  	_ =	swait.ge [sflag:s16], $0x4000  }
0x139: {  	[sflag:s16] =	ssyncset.done $0x0  }
0x13a: {  	[sflag:s16] =	ssyncadd.s32 $0xFFFFC000  }
0x13b: {  	[bflag:$0x0] =	sbarrier.arrive $0xFFFF  }
0x13c: {  	s0 =	simm.s32 @!p0 $0x1C05;
	s1 =	rddreg [dreg:$0x16]  }
0x13d: {  	[hbm:s1], [sflag:s0] =	dma.local @!p0 [spmem:s18], $0x1000  }
0x13e: {  	s0 =	simm.s32 @!p0 $0x5  }
0x13f: {  	_ =	swait.ge @!p0 [sflag:s0], $0x1000  }
0x140: {  	s31 =	sadd.s32 $0x1, s31;
	s30 =	rddreg [dreg:$0x17]  }
0x141: {  	p1 =	sne.s32 s31, s30  }
.Ltmp10:
0x142: {  	_ = 	snop;
	(pc) =	sbr.rel @p1 .LBB2_1-.Ltmp10, $3  }
0x143: {  	_ =	sdelay $0x1  }
0x144: {  	[sflag:s0] =	ssyncset.done @!p0 $0x0  }
0x145: {  	[sflag:s0] =	ssyncadd.s32 @!p0 $0xFFFFF000  }
0x146: {  	_ =	sfence.sel $0x180000  }
0x147: {  	[bflag:$0x0] =	sbarrier.arrive $0xFFFF  }
0x148: {  	_ =	strace $0x90000047  }
0x149: {  	[bflag:$0x2] =	sbarrier.arrive $0xFFFF  }
0x14a: {  	s0 =	rddreg [dreg:$0xd]  }
0x14b: {  	s0 =	sadd.s32 @!p0 $0x100000, s0  }
0x14c: {  	[sflag:s0] =	ssyncadd.tile.s32 @!p0 $0x1;
	_ =	shalt  }
.Lfunc_end2:
_tile_overlayer_lowered:
.L_overlay_start_2:
0x14d: {  	(tag) =	ssettag $0x2  }
0x14e: {  	s0 =	rddreg [dreg:$0x0];
	s2 =	stileid.u32  }
0x14f: {  	s1 =	rddreg [dreg:$0x1];
	p0 =	sne.s32 s2, $0x0  }
0x150: {  	s3 =	rddreg [dreg:$0x2];
	[bflag:$0x3] =	sbarrier.arrive $0xFFFF;
	s2 =	simm.s32 @!p0 $0x1C05  }
0x151: {  	[timem:s3], [sflag:s2] =	dma.local @!p0 [hbm:s0], s1  }
0x152: {  	s0 =	simm.s32 @!p0 $0x5  }
0x153: {  	_ =	swait.ge @!p0 [sflag:s0], s1  }
0x154: {  	s1 =	ssub.s32 @!p0 $0x0, s1;
	[sflag:s0] =	ssyncset.done @!p0 $0x0  }
0x155: {  	[sflag:s0] =	ssyncadd.s32 @!p0 s1  }
0x156: {  	[bflag:$0x3] =	sbarrier.arrive $0xFFFF  }
0x157: {  	_ =	shalt  }

</sc_bundles>
